<compile_context>
chip_gen: v7x
topology: tpu7x:2x2x1
jax: 0.10.2.dev20260603
libtpu: 0.0.44.dev20260713+nightly
codegen_flags: <defaults>
</compile_context>

<pallas_src>
import functools

import jax
import jax.numpy as jnp
from jax import lax
from jax.experimental import pallas as pl
from jax.experimental.pallas import tpu as pltpu
from jax.experimental.pallas import tpu_sc as plsc

N = 10000
E = 320000
D = 128

NC = 2
NS = 16
NW = NC * NS

EPW = E // NW
K = 80
GROUPS = 5
CPG = 25
SLOTS = 4
RPT = 624
TAIL = N - NS * RPT
ZR = 16


def _sc_segment_sum(x, src_r, dst_r):
    mesh = plsc.VectorSubcoreMesh(
        core_axis_name="c", subcore_axis_name="s", num_cores=NC, num_subcores=NS
    )

    @functools.partial(
        pl.kernel,
        out_type=[
            jax.ShapeDtypeStruct((NC, N, D), jnp.float32),
            jax.ShapeDtypeStruct((NC, N), jnp.float32),
        ],
        mesh=mesh,
        scratch_types=[
            pltpu.VMEM_SHARED((N, D), jnp.float32),
            pltpu.VMEM_SHARED((N,), jnp.float32),
            pltpu.VMEM((CPG, K), jnp.int32),
            pltpu.VMEM((CPG, K), jnp.int32),
            pltpu.VMEM((SLOTS, K, D), jnp.float32),
            pltpu.VMEM((K,), jnp.float32),
            pltpu.VMEM((ZR, D), jnp.float32),
            pltpu.VMEM((RPT,), jnp.float32),
            pltpu.SemaphoreType.DMA((SLOTS,)),
            pltpu.SemaphoreType.DMA((SLOTS,)),
            pltpu.SemaphoreType.DMA((SLOTS,)),
            pltpu.SemaphoreType.DMA,
        ],
        compiler_params=pltpu.CompilerParams(use_tc_tiling_on_sc=False),
    )
    def seg_sum(x_hbm, src_hbm, dst_hbm, agg_out, cnt_out,
                agg_sh, cnt_sh, src_v, dst_v, rows, ones_v,
                zbuf, zcnt, gsem, asem, csem, bsem):
        c = lax.axis_index("c")
        s = lax.axis_index("s")
        wid = c * NS + s

        zero16 = jnp.zeros((16,), jnp.float32)
        one16 = jnp.ones((16,), jnp.float32)

        def zb_body(i, carry):
            for j in range(D // 16):
                zbuf[i, pl.ds(j * 16, 16)] = zero16
            return carry

        lax.fori_loop(0, ZR, zb_body, 0)

        def zc_body(i, carry):
            zcnt[pl.ds(i * 16, 16)] = zero16
            return carry

        lax.fori_loop(0, RPT // 16, zc_body, 0)

        def on_body(i, carry):
            ones_v[pl.ds(i * 16, 16)] = one16
            return carry

        lax.fori_loop(0, K // 16, on_body, 0)

        row0 = s * RPT

        def zs_body(t, carry):
            pltpu.async_copy(zbuf, agg_sh.at[pl.ds(row0 + t * ZR, ZR)], bsem)
            return carry

        lax.fori_loop(0, RPT // ZR, zs_body, 0)
        pltpu.async_copy(zcnt, cnt_sh.at[pl.ds(row0, RPT)], bsem)

        @pl.when(s == NS - 1)
        def _zero_tail():
            pltpu.sync_copy(zbuf.at[pl.ds(0, TAIL)], agg_sh.at[pl.ds(NS * RPT, TAIL)])
            pltpu.sync_copy(zcnt.at[pl.ds(0, TAIL)], cnt_sh.at[pl.ds(NS * RPT, TAIL)])

        def zs_drain(t, carry):
            pltpu.make_async_copy(zbuf, agg_sh.at[pl.ds(row0, ZR)], bsem).wait()
            return carry

        lax.fori_loop(0, RPT // ZR, zs_drain, 0)
        pltpu.make_async_copy(zcnt, cnt_sh.at[pl.ds(row0, RPT)], bsem).wait()
        plsc.subcore_barrier()

        def issue_gather(j, slot):
            pltpu.async_copy(x_hbm.at[src_v.at[j]], rows.at[slot], gsem.at[slot])

        def wait_gather(slot):
            pltpu.make_async_copy(
                x_hbm.at[src_v.at[0]], rows.at[slot], gsem.at[slot]
            ).wait()

        def issue_scatter(j, slot):
            pltpu.async_copy(rows.at[slot], agg_sh.at[dst_v.at[j]], asem.at[slot],
                             add=True)
            pltpu.async_copy(ones_v, cnt_sh.at[dst_v.at[j]], csem.at[slot],
                             add=True)

        def wait_scatter(slot):
            pltpu.make_async_copy(rows.at[slot], agg_sh.at[dst_v.at[0]],
                                  asem.at[slot]).wait()
            pltpu.make_async_copy(ones_v, cnt_sh.at[dst_v.at[0]],
                                  csem.at[slot]).wait()

        def group_body(g, carry):
            pltpu.sync_copy(src_hbm.at[wid, g], src_v)
            pltpu.sync_copy(dst_hbm.at[wid, g], dst_v)
            issue_gather(0, 0)
            issue_gather(1, 1)
            issue_gather(2, 2)

            def chunk_body(t, carry):
                slot = lax.rem(t, SLOTS)
                wait_gather(slot)
                issue_scatter(t, slot)

                @pl.when(t >= 1)
                def _drain_prev():
                    wait_scatter(lax.rem(t + SLOTS - 1, SLOTS))

                @pl.when(t + 3 < CPG)
                def _prefetch():
                    issue_gather(t + 3, lax.rem(t + 3, SLOTS))

                return carry

            lax.fori_loop(0, CPG, chunk_body, carry)
            wait_scatter(lax.rem(CPG - 1, SLOTS))
            return carry

        lax.fori_loop(0, GROUPS, group_body, 0)
        plsc.subcore_barrier()

        pltpu.async_copy(
            agg_sh.at[pl.ds(row0, RPT)], agg_out.at[c, pl.ds(row0, RPT)], bsem
        )
        pltpu.async_copy(
            cnt_sh.at[pl.ds(row0, RPT)], cnt_out.at[c, pl.ds(row0, RPT)], bsem
        )

        @pl.when(s == NS - 1)
        def _write_tail():
            pltpu.sync_copy(
                agg_sh.at[pl.ds(NS * RPT, TAIL)], agg_out.at[c, pl.ds(NS * RPT, TAIL)]
            )
            pltpu.sync_copy(
                cnt_sh.at[pl.ds(NS * RPT, TAIL)], cnt_out.at[c, pl.ds(NS * RPT, TAIL)]
            )

        pltpu.make_async_copy(
            agg_sh.at[pl.ds(row0, RPT)], agg_out.at[c, pl.ds(row0, RPT)], bsem
        ).wait()
        pltpu.make_async_copy(
            cnt_sh.at[pl.ds(row0, RPT)], cnt_out.at[c, pl.ds(row0, RPT)], bsem
        ).wait()

    return seg_sum(x, src_r, dst_r)


def _tc_body(agg_ref, cnt_ref, x_ref, wl_ref, wr_ref, out_ref):
    agg = agg_ref[0] + agg_ref[1]
    cnt = cnt_ref[0, 0, :] + cnt_ref[0, 1, :]
    mean = agg / jnp.maximum(cnt, 1.0)[:, None]
    dn = (((1,), (1,)), ((), ()))
    out_ref[...] = (
        lax.dot_general(mean, wl_ref[...], dn, preferred_element_type=jnp.float32)
        + lax.dot_general(x_ref[...], wr_ref[...], dn, preferred_element_type=jnp.float32)
    )


def _tc_combine(agg2, cnt2, x, W_l, W_r):
    B = 1000
    grid = (N // B,)
    return pl.pallas_call(
        _tc_body,
        grid=grid,
        in_specs=[
            pl.BlockSpec((NC, B, D), lambda i: (0, i, 0)),
            pl.BlockSpec((1, NC, B), lambda i: (i, 0, 0)),
            pl.BlockSpec((B, D), lambda i: (i, 0)),
            pl.BlockSpec((D, D), lambda i: (0, 0)),
            pl.BlockSpec((D, D), lambda i: (0, 0)),
        ],
        out_specs=pl.BlockSpec((B, D), lambda i: (i, 0)),
        out_shape=jax.ShapeDtypeStruct((N, D), jnp.float32),
    )(agg2, cnt2.reshape(NC, N // B, B).transpose(1, 0, 2), x, W_l, W_r)


def kernel(x, edge_index, W_l, W_r):
    src_r = edge_index[0].reshape(NW, GROUPS, CPG, K)
    dst_r = edge_index[1].reshape(NW, GROUPS, CPG, K)
    agg2, cnt2 = _sc_segment_sum(x, src_r, dst_r)
    return _tc_combine(agg2, cnt2, x, W_l, W_r)

# --- scband reference (transcript-rebuilt; emitter-appended) ---
"""Pipeline reference for scband-sageconv-4363686772846 (READ-ONLY COPY).

The authoritative reference and input builder live on the scoring server;
editing this copy changes nothing except your own understanding.
"""

import jax, jax.numpy as jnp
import numpy as np

N = 10000
E = 320000
DIN = 128
DOUT = 128


def setup_inputs(seed: int = 0) -> dict:
    key = jax.random.key(seed)
    k1, k2, k3, k4 = jax.random.split(key, 4)
    x = jax.random.normal(k1, (N, DIN), dtype=jnp.float32)
    edge_index = jax.random.randint(k2, (2, E), 0, N, dtype=jnp.int32)
    # PyG SAGEConv params: lin_l applied to aggregated neighbors, lin_r to root (bias=False)
    scale = 1.0 / np.sqrt(DIN)
    W_l = jax.random.uniform(k3, (DOUT, DIN), dtype=jnp.float32, minval=-scale, maxval=scale)
    W_r = jax.random.uniform(k4, (DOUT, DIN), dtype=jnp.float32, minval=-scale, maxval=scale)
    return {"x": x, "edge_index": edge_index, "W_l": W_l, "W_r": W_r}


def reference(x, edge_index, W_l, W_r):
    # PyG SAGEConv with mean aggregation, root_weight=True, normalize=False, bias=False:
    #   out = lin_l(mean_{j in N(i)} x_j) + lin_r(x_i)
    src = edge_index[0]
    dst = edge_index[1]
    msgs = jnp.take(x, src, axis=0)                       # gather: [E, DIN]
    agg = jax.ops.segment_sum(msgs, dst, num_segments=N)  # scatter-add: [N, DIN]
    cnt = jax.ops.segment_sum(jnp.ones((E,), dtype=x.dtype), dst, num_segments=N)
    mean = agg / jnp.clip(cnt, 1.0, None)[:, None]
    out = mean @ W_l.T + x @ W_r.T
    return out

if __name__ == "__main__":
    import jax
    _d = setup_inputs()
    print(jax.jit(kernel)(*tuple(_d.values())))

</pallas_src>

<mosaic_0001>
#map = affine_map<(d0, d1) -> (0, 0)>
#map1 = affine_map<(d0, d1) -> (0, 0, 0, 0)>
#map2 = affine_map<(d0, d1) -> (0, 0, 0)>
module attributes {stable_mosaic.version = 14 : i64} {
  func.func @seg_sum(%arg0: i32, %arg1: i32, %arg2: memref<10000x128xf32, #tpu.memory_space<hbm>>, %arg3: memref<32x5x25x80xi32, #tpu.memory_space<hbm>>, %arg4: memref<32x5x25x80xi32, #tpu.memory_space<hbm>>, %arg5: memref<2x10000x128xf32, #tpu.memory_space<hbm>>, %arg6: memref<2x10000xf32, #tpu.memory_space<hbm>>, %arg7: memref<10000x128xf32, #tpu.memory_space<vmem_shared>>, %arg8: memref<10000xf32, #tpu.memory_space<vmem_shared>>, %arg9: memref<25x80xi32, #tpu.memory_space<vmem>>, %arg10: memref<25x80xi32, #tpu.memory_space<vmem>>, %arg11: memref<4x80x128xf32, #tpu.memory_space<vmem>>, %arg12: memref<80xf32, #tpu.memory_space<vmem>>, %arg13: memref<16x128xf32, #tpu.memory_space<vmem>>, %arg14: memref<624xf32, #tpu.memory_space<vmem>>, %arg15: memref<4x!tpu.dma_semaphore, #tpu.memory_space<semaphore_mem>>, %arg16: memref<4x!tpu.dma_semaphore, #tpu.memory_space<semaphore_mem>>, %arg17: memref<4x!tpu.dma_semaphore, #tpu.memory_space<semaphore_mem>>, %arg18: memref<!tpu.dma_semaphore, #tpu.memory_space<semaphore_mem>>) attributes {dimension_semantics = [#tpu.dimension_semantics<core_parallel>, #tpu.dimension_semantics<subcore_parallel>], iteration_bounds = array<i64: 2, 16>, scalar_prefetch = 0 : i64, scratch_operands = 12 : i64, tpu.core_type = #tpu.core_type<sc_vector_subcore>, window_params = [{transform_indices = #map}, {transform_indices = #map1}, {transform_indices = #map1}, {transform_indices = #map2}, {transform_indices = #map}]} {
    %mul3A = arith.constant 16 : i32
    %mul3A_0 = arith.muli %arg0, %mul3A : i32
    %add3A = arith.addi %mul3A_0, %arg1 : i32
    %broadcast_in_dim3A = arith.constant 0.000000e+00 : f32
    %broadcast_in_dim3A_1 = vector.broadcast %broadcast_in_dim3A : f32 to vector<16xf32>
    %broadcast_in_dim3A_2 = arith.constant 1.000000e+00 : f32
    %broadcast_in_dim3A_3 = vector.broadcast %broadcast_in_dim3A_2 : f32 to vector<16xf32>
    %scan3A = arith.constant 0 : i32
    %scan3A_4 = arith.constant 0 : i32
    %scan3A_5 = arith.constant 16 : i32
    %scan3A_6 = arith.addi %scan3A_4, %scan3A_5 : i32
    %scan3A_7 = arith.constant 1 : i32
    scf.for %scan3A_67 = %scan3A_4 to %scan3A_6 step %scan3A_7  : i32 {
      %swap3A = arith.index_cast %scan3A_67 : i32 to index
      %swap3A_68 = arith.constant 0 : index
      %swap3A_69 = tpu.vector_load %arg13[%swap3A, %swap3A_68] {strides = array<i32>} : memref<16x128xf32, #tpu.memory_space<vmem>>, vector<1x16xf32>,
      %swap3A_70 = vector.shape_cast %swap3A_69 : vector<1x16xf32> to vector<16xf32>
      %swap3A_71 = vector.shape_cast %broadcast_in_dim3A_1 : vector<16xf32> to vector<1x16xf32>
      tpu.vector_store %arg13[%swap3A, %swap3A_68], %swap3A_71 {strides = array<i32>} : memref<16x128xf32, #tpu.memory_space<vmem>>, vector<1x16xf32>,
      %swap3A_72 = arith.index_cast %scan3A_67 : i32 to index
      %swap3A_73 = arith.constant 16 : index
      %swap3A_74 = tpu.vector_load %arg13[%swap3A_72, %swap3A_73] {strides = array<i32>} : memref<16x128xf32, #tpu.memory_space<vmem>>, vector<1x16xf32>,
      %swap3A_75 = vector.shape_cast %swap3A_74 : vector<1x16xf32> to vector<16xf32>
      %swap3A_76 = vector.shape_cast %broadcast_in_dim3A_1 : vector<16xf32> to vector<1x16xf32>
      tpu.vector_store %arg13[%swap3A_72, %swap3A_73], %swap3A_76 {strides = array<i32>} : memref<16x128xf32, #tpu.memory_space<vmem>>, vector<1x16xf32>,
      %swap3A_77 = arith.index_cast %scan3A_67 : i32 to index
      %swap3A_78 = arith.constant 32 : index
      %swap3A_79 = tpu.vector_load %arg13[%swap3A_77, %swap3A_78] {strides = array<i32>} : memref<16x128xf32, #tpu.memory_space<vmem>>, vector<1x16xf32>,
      %swap3A_80 = vector.shape_cast %swap3A_79 : vector<1x16xf32> to vector<16xf32>
      %swap3A_81 = vector.shape_cast %broadcast_in_dim3A_1 : vector<16xf32> to vector<1x16xf32>
      tpu.vector_store %arg13[%swap3A_77, %swap3A_78], %swap3A_81 {strides = array<i32>} : memref<16x128xf32, #tpu.memory_space<vmem>>, vector<1x16xf32>,
      %swap3A_82 = arith.index_cast %scan3A_67 : i32 to index
      %swap3A_83 = arith.constant 48 : index
      %swap3A_84 = tpu.vector_load %arg13[%swap3A_82, %swap3A_83] {strides = array<i32>} : memref<16x128xf32, #tpu.memory_space<vmem>>, vector<1x16xf32>,
      %swap3A_85 = vector.shape_cast %swap3A_84 : vector<1x16xf32> to vector<16xf32>
      %swap3A_86 = vector.shape_cast %broadcast_in_dim3A_1 : vector<16xf32> to vector<1x16xf32>
      tpu.vector_store %arg13[%swap3A_82, %swap3A_83], %swap3A_86 {strides = array<i32>} : memref<16x128xf32, #tpu.memory_space<vmem>>, vector<1x16xf32>,
      %swap3A_87 = arith.index_cast %scan3A_67 : i32 to index
      %swap3A_88 = arith.constant 64 : index
      %swap3A_89 = tpu.vector_load %arg13[%swap3A_87, %swap3A_88] {strides = array<i32>} : memref<16x128xf32, #tpu.memory_space<vmem>>, vector<1x16xf32>,
      %swap3A_90 = vector.shape_cast %swap3A_89 : vector<1x16xf32> to vector<16xf32>
      %swap3A_91 = vector.shape_cast %broadcast_in_dim3A_1 : vector<16xf32> to vector<1x16xf32>
      tpu.vector_store %arg13[%swap3A_87, %swap3A_88], %swap3A_91 {strides = array<i32>} : memref<16x128xf32, #tpu.memory_space<vmem>>, vector<1x16xf32>,
      %swap3A_92 = arith.index_cast %scan3A_67 : i32 to index
      %swap3A_93 = arith.constant 80 : index
      %swap3A_94 = tpu.vector_load %arg13[%swap3A_92, %swap3A_93] {strides = array<i32>} : memref<16x128xf32, #tpu.memory_space<vmem>>, vector<1x16xf32>,
      %swap3A_95 = vector.shape_cast %swap3A_94 : vector<1x16xf32> to vector<16xf32>
      %swap3A_96 = vector.shape_cast %broadcast_in_dim3A_1 : vector<16xf32> to vector<1x16xf32>
      tpu.vector_store %arg13[%swap3A_92, %swap3A_93], %swap3A_96 {strides = array<i32>} : memref<16x128xf32, #tpu.memory_space<vmem>>, vector<1x16xf32>,
      %swap3A_97 = arith.index_cast %scan3A_67 : i32 to index
      %swap3A_98 = arith.constant 96 : index
      %swap3A_99 = tpu.vector_load %arg13[%swap3A_97, %swap3A_98] {strides = array<i32>} : memref<16x128xf32, #tpu.memory_space<vmem>>, vector<1x16xf32>,
      %swap3A_100 = vector.shape_cast %swap3A_99 : vector<1x16xf32> to vector<16xf32>
      %swap3A_101 = vector.shape_cast %broadcast_in_dim3A_1 : vector<16xf32> to vector<1x16xf32>
      tpu.vector_store %arg13[%swap3A_97, %swap3A_98], %swap3A_101 {strides = array<i32>} : memref<16x128xf32, #tpu.memory_space<vmem>>, vector<1x16xf32>,
      %swap3A_102 = arith.index_cast %scan3A_67 : i32 to index
      %swap3A_103 = arith.constant 112 : index
      %swap3A_104 = tpu.vector_load %arg13[%swap3A_102, %swap3A_103] {strides = array<i32>} : memref<16x128xf32, #tpu.memory_space<vmem>>, vector<1x16xf32>,
      %swap3A_105 = vector.shape_cast %swap3A_104 : vector<1x16xf32> to vector<16xf32>
      %swap3A_106 = vector.shape_cast %broadcast_in_dim3A_1 : vector<16xf32> to vector<1x16xf32>
      tpu.vector_store %arg13[%swap3A_102, %swap3A_103], %swap3A_106 {strides = array<i32>} : memref<16x128xf32, #tpu.memory_space<vmem>>, vector<1x16xf32>,
    }
    %scan3A_8 = arith.constant 16 : i32
    %scan3A_9 = arith.constant 0 : i32
    %scan3A_10 = arith.constant 0 : i32
    %scan3A_11 = arith.constant 39 : i32
    %scan3A_12 = arith.addi %scan3A_10, %scan3A_11 : i32
    %scan3A_13 = arith.constant 1 : i32
    scf.for %scan3A_67 = %scan3A_10 to %scan3A_12 step %scan3A_13  : i32 {
      %mul3A_68 = arith.constant 16 : i32
      %mul3A_69 = arith.muli %scan3A_67, %mul3A_68 : i32
      %swap3A = arith.index_cast %mul3A_69 : i32 to index
      %swap3A_70 = tpu.vector_load %arg14[%swap3A] {strides = array<i32>} : memref<624xf32, #tpu.memory_space<vmem>>, vector<16xf32>,
      %swap3A_71 = vector.shape_cast %swap3A_70 : vector<16xf32> to vector<16xf32>
      %swap3A_72 = vector.shape_cast %broadcast_in_dim3A_1 : vector<16xf32> to vector<16xf32>
      tpu.vector_store %arg14[%swap3A], %swap3A_72 {strides = array<i32>} : memref<624xf32, #tpu.memory_space<vmem>>, vector<16xf32>,
    }
    %scan3A_14 = arith.constant 39 : i32
    %scan3A_15 = arith.constant 0 : i32
    %scan3A_16 = arith.constant 0 : i32
    %scan3A_17 = arith.constant 5 : i32
    %scan3A_18 = arith.addi %scan3A_16, %scan3A_17 : i32
    %scan3A_19 = arith.constant 1 : i32
    scf.for %scan3A_67 = %scan3A_16 to %scan3A_18 step %scan3A_19  : i32 {
      %mul3A_68 = arith.constant 16 : i32
      %mul3A_69 = arith.muli %scan3A_67, %mul3A_68 : i32
      %swap3A = arith.index_cast %mul3A_69 : i32 to index
      %swap3A_70 = tpu.vector_load %arg12[%swap3A] {strides = array<i32>} : memref<80xf32, #tpu.memory_space<vmem>>, vector<16xf32>,
      %swap3A_71 = vector.shape_cast %swap3A_70 : vector<16xf32> to vector<16xf32>
      %swap3A_72 = vector.shape_cast %broadcast_in_dim3A_3 : vector<16xf32> to vector<16xf32>
      tpu.vector_store %arg12[%swap3A], %swap3A_72 {strides = array<i32>} : memref<80xf32, #tpu.memory_space<vmem>>, vector<16xf32>,
    }
    %scan3A_20 = arith.constant 5 : i32
    %mul3A_21 = arith.constant 624 : i32
    %mul3A_22 = arith.muli %arg1, %mul3A_21 : i32
    %scan3A_23 = arith.constant 0 : i32
    %scan3A_24 = arith.constant 0 : i32
    %scan3A_25 = arith.constant 39 : i32
    %scan3A_26 = arith.addi %scan3A_24, %scan3A_25 : i32
    %scan3A_27 = arith.constant 1 : i32
    scf.for %scan3A_67 = %scan3A_24 to %scan3A_26 step %scan3A_27  : i32 {
      %mul3A_68 = arith.constant 16 : i32
      %mul3A_69 = arith.muli %scan3A_67, %mul3A_68 : i32
      %add3A_70 = arith.addi %mul3A_22, %mul3A_69 : i32
      %dma_start3A_71 = arith.constant 0 : i32
      %dma_start3A_72 = tpu.memref_slice %arg7[%add3A_70, %dma_start3A_71] : memref<10000x128xf32, #tpu.memory_space<vmem_shared>> -> memref<16x128xf32, #tpu.memory_space<vmem_shared>>
      %dma_start3A_73 = arith.constant 0 : i32
      %dma_start3A_74 = tpu.memref_slice %arg7[%add3A_70, %dma_start3A_73] : memref<10000x128xf32, #tpu.memory_space<vmem_shared>> -> memref<16x128xf32, #tpu.memory_space<vmem_shared>>
      tpu.enqueue_dma source(%arg13 : memref<16x128xf32, #tpu.memory_space<vmem>>) target(%dma_start3A_74 : memref<16x128xf32, #tpu.memory_space<vmem_shared>>) target_semaphore(%arg18 : memref<!tpu.dma_semaphore, #tpu.memory_space<semaphore_mem>>)
    }
    %scan3A_28 = arith.constant 39 : i32
    %dma_start3A = tpu.memref_slice %arg8[%mul3A_22] : memref<10000xf32, #tpu.memory_space<vmem_shared>> -> memref<624xf32, #tpu.memory_space<vmem_shared>>
    %dma_start3A_29 = tpu.memref_slice %arg8[%mul3A_22] : memref<10000xf32, #tpu.memory_space<vmem_shared>> -> memref<624xf32, #tpu.memory_space<vmem_shared>>
    tpu.enqueue_dma source(%arg14 : memref<624xf32, #tpu.memory_space<vmem>>) target(%dma_start3A_29 : memref<624xf32, #tpu.memory_space<vmem_shared>>) target_semaphore(%arg18 : memref<!tpu.dma_semaphore, #tpu.memory_space<semaphore_mem>>)
    %eq3A = arith.constant 15 : i32
    %eq3A_30 = arith.cmpi eq, %arg1, %eq3A : i32
    %convert_element_type3A = arith.extui %eq3A_30 : i1 to i32
    %cond3A = arith.constant 0 : i32
    %cond3A_31 = arith.cmpi ne, %convert_element_type3A, %cond3A : i32
    scf.if %cond3A_31 {
      "tpu.region"() ({
        %run_scoped3A = tpu.sem_alloc : memref<!tpu.dma_semaphore, #tpu.memory_space<semaphore_mem>>
        %dma_start3A_67 = arith.constant 0 : i32
        %dma_start3A_68 = arith.constant 0 : i32
        %dma_start3A_69 = tpu.memref_slice %arg13[%dma_start3A_67, %dma_start3A_68] : memref<16x128xf32, #tpu.memory_space<vmem>> -> memref<16x128xf32, #tpu.memory_space<vmem>>
        %dma_start3A_70 = arith.constant 9984 : i32
        %dma_start3A_71 = arith.constant 0 : i32
        %dma_start3A_72 = tpu.memref_slice %arg7[%dma_start3A_70, %dma_start3A_71] : memref<10000x128xf32, #tpu.memory_space<vmem_shared>> -> memref<16x128xf32, #tpu.memory_space<vmem_shared>>
        %dma_start3A_73 = arith.constant 9984 : i32
        %dma_start3A_74 = arith.constant 0 : i32
        %dma_start3A_75 = tpu.memref_slice %arg7[%dma_start3A_73, %dma_start3A_74] : memref<10000x128xf32, #tpu.memory_space<vmem_shared>> -> memref<16x128xf32, #tpu.memory_space<vmem_shared>>
        %dma_start3A_76 = arith.constant 0 : i32
        %dma_start3A_77 = arith.constant 0 : i32
        %dma_start3A_78 = tpu.memref_slice %arg13[%dma_start3A_76, %dma_start3A_77] : memref<16x128xf32, #tpu.memory_space<vmem>> -> memref<16x128xf32, #tpu.memory_space<vmem>>
        tpu.enqueue_dma source(%dma_start3A_78 : memref<16x128xf32, #tpu.memory_space<vmem>>) target(%dma_start3A_75 : memref<16x128xf32, #tpu.memory_space<vmem_shared>>) target_semaphore(%run_scoped3A : memref<!tpu.dma_semaphore, #tpu.memory_space<semaphore_mem>>)
        %dma_wait3A_79 = arith.constant 0 : i32
        %dma_wait3A_80 = arith.constant 0 : i32
        %dma_wait3A_81 = tpu.memref_slice %arg13[%dma_wait3A_79, %dma_wait3A_80] : memref<16x128xf32, #tpu.memory_space<vmem>> -> memref<16x128xf32, #tpu.memory_space<vmem>>
        %dma_wait3A_82 = arith.constant 9984 : i32
        %dma_wait3A_83 = arith.constant 0 : i32
        %dma_wait3A_84 = tpu.memref_slice %arg7[%dma_wait3A_82, %dma_wait3A_83] : memref<10000x128xf32, #tpu.memory_space<vmem_shared>> -> memref<16x128xf32, #tpu.memory_space<vmem_shared>>
        %dma_wait3A_85 = arith.constant 9984 : i32
        %dma_wait3A_86 = arith.constant 0 : i32
        %dma_wait3A_87 = tpu.memref_slice %arg7[%dma_wait3A_85, %dma_wait3A_86] : memref<10000x128xf32, #tpu.memory_space<vmem_shared>> -> memref<16x128xf32, #tpu.memory_space<vmem_shared>>
        %dma_wait3A_88 = arith.constant 0 : i32
        %dma_wait3A_89 = arith.constant 0 : i32
        %dma_wait3A_90 = tpu.memref_slice %arg13[%dma_wait3A_88, %dma_wait3A_89] : memref<16x128xf32, #tpu.memory_space<vmem>> -> memref<16x128xf32, #tpu.memory_space<vmem>>
        tpu.wait_dma2 semaphore(%run_scoped3A : memref<!tpu.dma_semaphore, #tpu.memory_space<semaphore_mem>>) src(%dma_wait3A_90 : memref<16x128xf32, #tpu.memory_space<vmem>>) dst(%dma_wait3A_87 : memref<16x128xf32, #tpu.memory_space<vmem_shared>>)
        tpu.yield
      }) : () -> ()
      "tpu.region"() ({
        %run_scoped3A = tpu.sem_alloc : memref<!tpu.dma_semaphore, #tpu.memory_space<semaphore_mem>>
        %dma_start3A_67 = arith.constant 0 : i32
        %dma_start3A_68 = tpu.memref_slice %arg14[%dma_start3A_67] : memref<624xf32, #tpu.memory_space<vmem>> -> memref<16xf32, #tpu.memory_space<vmem>>
        %dma_start3A_69 = arith.constant 9984 : i32
        %dma_start3A_70 = tpu.memref_slice %arg8[%dma_start3A_69] : memref<10000xf32, #tpu.memory_space<vmem_shared>> -> memref<16xf32, #tpu.memory_space<vmem_shared>>
        %dma_start3A_71 = arith.constant 9984 : i32
        %dma_start3A_72 = tpu.memref_slice %arg8[%dma_start3A_71] : memref<10000xf32, #tpu.memory_space<vmem_shared>> -> memref<16xf32, #tpu.memory_space<vmem_shared>>
        %dma_start3A_73 = arith.constant 0 : i32
        %dma_start3A_74 = tpu.memref_slice %arg14[%dma_start3A_73] : memref<624xf32, #tpu.memory_space<vmem>> -> memref<16xf32, #tpu.memory_space<vmem>>
        tpu.enqueue_dma source(%dma_start3A_74 : memref<16xf32, #tpu.memory_space<vmem>>) target(%dma_start3A_72 : memref<16xf32, #tpu.memory_space<vmem_shared>>) target_semaphore(%run_scoped3A : memref<!tpu.dma_semaphore, #tpu.memory_space<semaphore_mem>>)
        %dma_wait3A_75 = arith.constant 0 : i32
        %dma_wait3A_76 = tpu.memref_slice %arg14[%dma_wait3A_75] : memref<624xf32, #tpu.memory_space<vmem>> -> memref<16xf32, #tpu.memory_space<vmem>>
        %dma_wait3A_77 = arith.constant 9984 : i32
        %dma_wait3A_78 = tpu.memref_slice %arg8[%dma_wait3A_77] : memref<10000xf32, #tpu.memory_space<vmem_shared>> -> memref<16xf32, #tpu.memory_space<vmem_shared>>
        %dma_wait3A_79 = arith.constant 9984 : i32
        %dma_wait3A_80 = tpu.memref_slice %arg8[%dma_wait3A_79] : memref<10000xf32, #tpu.memory_space<vmem_shared>> -> memref<16xf32, #tpu.memory_space<vmem_shared>>
        %dma_wait3A_81 = arith.constant 0 : i32
        %dma_wait3A_82 = tpu.memref_slice %arg14[%dma_wait3A_81] : memref<624xf32, #tpu.memory_space<vmem>> -> memref<16xf32, #tpu.memory_space<vmem>>
        tpu.wait_dma2 semaphore(%run_scoped3A : memref<!tpu.dma_semaphore, #tpu.memory_space<semaphore_mem>>) src(%dma_wait3A_82 : memref<16xf32, #tpu.memory_space<vmem>>) dst(%dma_wait3A_80 : memref<16xf32, #tpu.memory_space<vmem_shared>>)
        tpu.yield
      }) : () -> ()
    } else {
    }
    %scan3A_32 = arith.constant 0 : i32
    %scan3A_33 = arith.constant 0 : i32
    %scan3A_34 = arith.constant 39 : i32
    %scan3A_35 = arith.addi %scan3A_33, %scan3A_34 : i32
    %scan3A_36 = arith.constant 1 : i32
    scf.for %scan3A_67 = %scan3A_33 to %scan3A_35 step %scan3A_36  : i32 {
      %dma_wait3A_68 = arith.constant 0 : i32
      %dma_wait3A_69 = tpu.memref_slice %arg7[%mul3A_22, %dma_wait3A_68] : memref<10000x128xf32, #tpu.memory_space<vmem_shared>> -> memref<16x128xf32, #tpu.memory_space<vmem_shared>>
      %dma_wait3A_70 = arith.constant 0 : i32
      %dma_wait3A_71 = tpu.memref_slice %arg7[%mul3A_22, %dma_wait3A_70] : memref<10000x128xf32, #tpu.memory_space<vmem_shared>> -> memref<16x128xf32, #tpu.memory_space<vmem_shared>>
      tpu.wait_dma2 semaphore(%arg18 : memref<!tpu.dma_semaphore, #tpu.memory_space<semaphore_mem>>) src(%arg13 : memref<16x128xf32, #tpu.memory_space<vmem>>) dst(%dma_wait3A_71 : memref<16x128xf32, #tpu.memory_space<vmem_shared>>)
    }
    %scan3A_37 = arith.constant 39 : i32
    %dma_wait3A = tpu.memref_slice %arg8[%mul3A_22] : memref<10000xf32, #tpu.memory_space<vmem_shared>> -> memref<624xf32, #tpu.memory_space<vmem_shared>>
    %dma_wait3A_38 = tpu.memref_slice %arg8[%mul3A_22] : memref<10000xf32, #tpu.memory_space<vmem_shared>> -> memref<624xf32, #tpu.memory_space<vmem_shared>>
    tpu.wait_dma2 semaphore(%arg18 : memref<!tpu.dma_semaphore, #tpu.memory_space<semaphore_mem>>) src(%arg14 : memref<624xf32, #tpu.memory_space<vmem>>) dst(%dma_wait3A_38 : memref<624xf32, #tpu.memory_space<vmem_shared>>)
    %barrier3A = arith.constant 0 : index
    tpu.barrier barrier_id(%barrier3A)
    %scan3A_39 = arith.constant 0 : i32
    %scan3A_40 = arith.constant 0 : i32
    %scan3A_41 = arith.constant 5 : i32
    %scan3A_42 = arith.addi %scan3A_40, %scan3A_41 : i32
    %scan3A_43 = arith.constant 1 : i32
    scf.for %scan3A_67 = %scan3A_40 to %scan3A_42 step %scan3A_43  : i32 {
      "tpu.region"() ({
        %run_scoped3A = tpu.sem_alloc : memref<!tpu.dma_semaphore, #tpu.memory_space<semaphore_mem>>
        %dma_start3A_141 = arith.constant 0 : i32
        %dma_start3A_142 = arith.constant 0 : i32
        %dma_start3A_143 = tpu.memref_slice %arg3[%add3A, %scan3A_67, %dma_start3A_141, %dma_start3A_142] : memref<32x5x25x80xi32, #tpu.memory_space<hbm>> -> memref<1x1x25x80xi32, #tpu.memory_space<hbm>>
        %dma_start3A_144 = tpu.memref_squeeze %dma_start3A_143 : memref<1x1x25x80xi32, #tpu.memory_space<hbm>> -> memref<25x80xi32, #tpu.memory_space<hbm>>
        %dma_start3A_145 = arith.constant 0 : i32
        %dma_start3A_146 = arith.constant 0 : i32
        %dma_start3A_147 = tpu.memref_slice %arg3[%add3A, %scan3A_67, %dma_start3A_145, %dma_start3A_146] : memref<32x5x25x80xi32, #tpu.memory_space<hbm>> -> memref<1x1x25x80xi32, #tpu.memory_space<hbm>>
        %dma_start3A_148 = tpu.memref_squeeze %dma_start3A_147 : memref<1x1x25x80xi32, #tpu.memory_space<hbm>> -> memref<25x80xi32, #tpu.memory_space<hbm>>
        tpu.enqueue_dma source(%dma_start3A_148 : memref<25x80xi32, #tpu.memory_space<hbm>>) target(%arg9 : memref<25x80xi32, #tpu.memory_space<vmem>>) target_semaphore(%run_scoped3A : memref<!tpu.dma_semaphore, #tpu.memory_space<semaphore_mem>>)
        %dma_wait3A_149 = arith.constant 0 : i32
        %dma_wait3A_150 = arith.constant 0 : i32
        %dma_wait3A_151 = tpu.memref_slice %arg3[%add3A, %scan3A_67, %dma_wait3A_149, %dma_wait3A_150] : memref<32x5x25x80xi32, #tpu.memory_space<hbm>> -> memref<1x1x25x80xi32, #tpu.memory_space<hbm>>
        %dma_wait3A_152 = tpu.memref_squeeze %dma_wait3A_151 : memref<1x1x25x80xi32, #tpu.memory_space<hbm>> -> memref<25x80xi32, #tpu.memory_space<hbm>>
        %dma_wait3A_153 = arith.constant 0 : i32
        %dma_wait3A_154 = arith.constant 0 : i32
        %dma_wait3A_155 = tpu.memref_slice %arg3[%add3A, %scan3A_67, %dma_wait3A_153, %dma_wait3A_154] : memref<32x5x25x80xi32, #tpu.memory_space<hbm>> -> memref<1x1x25x80xi32, #tpu.memory_space<hbm>>
        %dma_wait3A_156 = tpu.memref_squeeze %dma_wait3A_155 : memref<1x1x25x80xi32, #tpu.memory_space<hbm>> -> memref<25x80xi32, #tpu.memory_space<hbm>>
        tpu.wait_dma2 semaphore(%run_scoped3A : memref<!tpu.dma_semaphore, #tpu.memory_space<semaphore_mem>>) src(%dma_wait3A_156 : memref<25x80xi32, #tpu.memory_space<hbm>>) dst(%arg9 : memref<25x80xi32, #tpu.memory_space<vmem>>)
        tpu.yield
      }) : () -> ()
      "tpu.region"() ({
        %run_scoped3A = tpu.sem_alloc : memref<!tpu.dma_semaphore, #tpu.memory_space<semaphore_mem>>
        %dma_start3A_141 = arith.constant 0 : i32
        %dma_start3A_142 = arith.constant 0 : i32
        %dma_start3A_143 = tpu.memref_slice %arg4[%add3A, %scan3A_67, %dma_start3A_141, %dma_start3A_142] : memref<32x5x25x80xi32, #tpu.memory_space<hbm>> -> memref<1x1x25x80xi32, #tpu.memory_space<hbm>>
        %dma_start3A_144 = tpu.memref_squeeze %dma_start3A_143 : memref<1x1x25x80xi32, #tpu.memory_space<hbm>> -> memref<25x80xi32, #tpu.memory_space<hbm>>
        %dma_start3A_145 = arith.constant 0 : i32
        %dma_start3A_146 = arith.constant 0 : i32
        %dma_start3A_147 = tpu.memref_slice %arg4[%add3A, %scan3A_67, %dma_start3A_145, %dma_start3A_146] : memref<32x5x25x80xi32, #tpu.memory_space<hbm>> -> memref<1x1x25x80xi32, #tpu.memory_space<hbm>>
        %dma_start3A_148 = tpu.memref_squeeze %dma_start3A_147 : memref<1x1x25x80xi32, #tpu.memory_space<hbm>> -> memref<25x80xi32, #tpu.memory_space<hbm>>
        tpu.enqueue_dma source(%dma_start3A_148 : memref<25x80xi32, #tpu.memory_space<hbm>>) target(%arg10 : memref<25x80xi32, #tpu.memory_space<vmem>>) target_semaphore(%run_scoped3A : memref<!tpu.dma_semaphore, #tpu.memory_space<semaphore_mem>>)
        %dma_wait3A_149 = arith.constant 0 : i32
        %dma_wait3A_150 = arith.constant 0 : i32
        %dma_wait3A_151 = tpu.memref_slice %arg4[%add3A, %scan3A_67, %dma_wait3A_149, %dma_wait3A_150] : memref<32x5x25x80xi32, #tpu.memory_space<hbm>> -> memref<1x1x25x80xi32, #tpu.memory_space<hbm>>
        %dma_wait3A_152 = tpu.memref_squeeze %dma_wait3A_151 : memref<1x1x25x80xi32, #tpu.memory_space<hbm>> -> memref<25x80xi32, #tpu.memory_space<hbm>>
        %dma_wait3A_153 = arith.constant 0 : i32
        %dma_wait3A_154 = arith.constant 0 : i32
        %dma_wait3A_155 = tpu.memref_slice %arg4[%add3A, %scan3A_67, %dma_wait3A_153, %dma_wait3A_154] : memref<32x5x25x80xi32, #tpu.memory_space<hbm>> -> memref<1x1x25x80xi32, #tpu.memory_space<hbm>>
        %dma_wait3A_156 = tpu.memref_squeeze %dma_wait3A_155 : memref<1x1x25x80xi32, #tpu.memory_space<hbm>> -> memref<25x80xi32, #tpu.memory_space<hbm>>
        tpu.wait_dma2 semaphore(%run_scoped3A : memref<!tpu.dma_semaphore, #tpu.memory_space<semaphore_mem>>) src(%dma_wait3A_156 : memref<25x80xi32, #tpu.memory_space<hbm>>) dst(%arg10 : memref<25x80xi32, #tpu.memory_space<vmem>>)
        tpu.yield
      }) : () -> ()
      %dma_start3A_68 = arith.constant 0 : i32
      %dma_start3A_69 = arith.constant 0 : i32
      %dma_start3A_70 = arith.constant 0 : i32
      %dma_start3A_71 = arith.constant 0 : i32
      %dma_start3A_72 = arith.constant 0 : i32
      %dma_start3A_73 = tpu.memref_slice %arg11[%dma_start3A_69, %dma_start3A_71, %dma_start3A_72] : memref<4x80x128xf32, #tpu.memory_space<vmem>> -> memref<1x80x128xf32, #tpu.memory_space<vmem>>
      %dma_start3A_74 = tpu.memref_squeeze %dma_start3A_73 : memref<1x80x128xf32, #tpu.memory_space<vmem>> -> memref<80x128xf32, #tpu.memory_space<vmem>>
      %dma_start3A_75 = arith.constant 0 : i32
      %dma_start3A_76 = tpu.memref_slice %arg9[%dma_start3A_68, %dma_start3A_75] : memref<25x80xi32, #tpu.memory_space<vmem>> -> memref<1x80xi32, #tpu.memory_space<vmem>>
      %dma_start3A_77 = tpu.memref_squeeze %dma_start3A_76 : memref<1x80xi32, #tpu.memory_space<vmem>> -> memref<80xi32, #tpu.memory_space<vmem>>
      %dma_start3A_78 = arith.constant 0 : i32
      %dma_start3A_79 = arith.constant 0 : i32
      %dma_start3A_80 = tpu.memref_slice %arg2[%dma_start3A_78, %dma_start3A_79] : memref<10000x128xf32, #tpu.memory_space<hbm>> -> memref<10000x128xf32, #tpu.memory_space<hbm>>
      %dma_start3A_81 = tpu.memref_slice %arg15[%dma_start3A_70] : memref<4x!tpu.dma_semaphore, #tpu.memory_space<semaphore_mem>> -> memref<1x!tpu.dma_semaphore, #tpu.memory_space<semaphore_mem>>
      %dma_start3A_82 = tpu.memref_squeeze %dma_start3A_81 : memref<1x!tpu.dma_semaphore, #tpu.memory_space<semaphore_mem>> -> memref<!tpu.dma_semaphore, #tpu.memory_space<semaphore_mem>>
      tpu.enqueue_indirect_dma source(%dma_start3A_80 : memref<10000x128xf32, #tpu.memory_space<hbm>>) target(%dma_start3A_74 : memref<80x128xf32, #tpu.memory_space<vmem>>) offsets(%dma_start3A_77 : memref<80xi32, #tpu.memory_space<vmem>>) semaphore(%dma_start3A_82 : memref<!tpu.dma_semaphore, #tpu.memory_space<semaphore_mem>>)
      %dma_start3A_83 = arith.constant 1 : i32
      %dma_start3A_84 = arith.constant 1 : i32
      %dma_start3A_85 = arith.constant 1 : i32
      %dma_start3A_86 = arith.constant 0 : i32
      %dma_start3A_87 = arith.constant 0 : i32
      %dma_start3A_88 = tpu.memref_slice %arg11[%dma_start3A_84, %dma_start3A_86, %dma_start3A_87] : memref<4x80x128xf32, #tpu.memory_space<vmem>> -> memref<1x80x128xf32, #tpu.memory_space<vmem>>
      %dma_start3A_89 = tpu.memref_squeeze %dma_start3A_88 : memref<1x80x128xf32, #tpu.memory_space<vmem>> -> memref<80x128xf32, #tpu.memory_space<vmem>>
      %dma_start3A_90 = arith.constant 0 : i32
      %dma_start3A_91 = tpu.memref_slice %arg9[%dma_start3A_83, %dma_start3A_90] : memref<25x80xi32, #tpu.memory_space<vmem>> -> memref<1x80xi32, #tpu.memory_space<vmem>>
      %dma_start3A_92 = tpu.memref_squeeze %dma_start3A_91 : memref<1x80xi32, #tpu.memory_space<vmem>> -> memref<80xi32, #tpu.memory_space<vmem>>
      %dma_start3A_93 = arith.constant 0 : i32
      %dma_start3A_94 = arith.constant 0 : i32
      %dma_start3A_95 = tpu.memref_slice %arg2[%dma_start3A_93, %dma_start3A_94] : memref<10000x128xf32, #tpu.memory_space<hbm>> -> memref<10000x128xf32, #tpu.memory_space<hbm>>
      %dma_start3A_96 = tpu.memref_slice %arg15[%dma_start3A_85] : memref<4x!tpu.dma_semaphore, #tpu.memory_space<semaphore_mem>> -> memref<1x!tpu.dma_semaphore, #tpu.memory_space<semaphore_mem>>
      %dma_start3A_97 = tpu.memref_squeeze %dma_start3A_96 : memref<1x!tpu.dma_semaphore, #tpu.memory_space<semaphore_mem>> -> memref<!tpu.dma_semaphore, #tpu.memory_space<semaphore_mem>>
      tpu.enqueue_indirect_dma source(%dma_start3A_95 : memref<10000x128xf32, #tpu.memory_space<hbm>>) target(%dma_start3A_89 : memref<80x128xf32, #tpu.memory_space<vmem>>) offsets(%dma_start3A_92 : memref<80xi32, #tpu.memory_space<vmem>>) semaphore(%dma_start3A_97 : memref<!tpu.dma_semaphore, #tpu.memory_space<semaphore_mem>>)
      %dma_start3A_98 = arith.constant 2 : i32
      %dma_start3A_99 = arith.constant 2 : i32
      %dma_start3A_100 = arith.constant 2 : i32
      %dma_start3A_101 = arith.constant 0 : i32
      %dma_start3A_102 = arith.constant 0 : i32
      %dma_start3A_103 = tpu.memref_slice %arg11[%dma_start3A_99, %dma_start3A_101, %dma_start3A_102] : memref<4x80x128xf32, #tpu.memory_space<vmem>> -> memref<1x80x128xf32, #tpu.memory_space<vmem>>
      %dma_start3A_104 = tpu.memref_squeeze %dma_start3A_103 : memref<1x80x128xf32, #tpu.memory_space<vmem>> -> memref<80x128xf32, #tpu.memory_space<vmem>>
      %dma_start3A_105 = arith.constant 0 : i32
      %dma_start3A_106 = tpu.memref_slice %arg9[%dma_start3A_98, %dma_start3A_105] : memref<25x80xi32, #tpu.memory_space<vmem>> -> memref<1x80xi32, #tpu.memory_space<vmem>>
      %dma_start3A_107 = tpu.memref_squeeze %dma_start3A_106 : memref<1x80xi32, #tpu.memory_space<vmem>> -> memref<80xi32, #tpu.memory_space<vmem>>
      %dma_start3A_108 = arith.constant 0 : i32
      %dma_start3A_109 = arith.constant 0 : i32
      %dma_start3A_110 = tpu.memref_slice %arg2[%dma_start3A_108, %dma_start3A_109] : memref<10000x128xf32, #tpu.memory_space<hbm>> -> memref<10000x128xf32, #tpu.memory_space<hbm>>
      %dma_start3A_111 = tpu.memref_slice %arg15[%dma_start3A_100] : memref<4x!tpu.dma_semaphore, #tpu.memory_space<semaphore_mem>> -> memref<1x!tpu.dma_semaphore, #tpu.memory_space<semaphore_mem>>
      %dma_start3A_112 = tpu.memref_squeeze %dma_start3A_111 : memref<1x!tpu.dma_semaphore, #tpu.memory_space<semaphore_mem>> -> memref<!tpu.dma_semaphore, #tpu.memory_space<semaphore_mem>>
      tpu.enqueue_indirect_dma source(%dma_start3A_110 : memref<10000x128xf32, #tpu.memory_space<hbm>>) target(%dma_start3A_104 : memref<80x128xf32, #tpu.memory_space<vmem>>) offsets(%dma_start3A_107 : memref<80xi32, #tpu.memory_space<vmem>>) semaphore(%dma_start3A_112 : memref<!tpu.dma_semaphore, #tpu.memory_space<semaphore_mem>>)
      %scan3A_113 = arith.constant 0 : i32
      %scan3A_114 = arith.constant 25 : i32
      %scan3A_115 = arith.addi %scan3A_113, %scan3A_114 : i32
      %scan3A_116 = arith.constant 1 : i32
      scf.for %scan3A_141 = %scan3A_113 to %scan3A_115 step %scan3A_116  : i32 {
        %rem3A_142 = arith.constant 4 : i32
        %rem3A_143 = arith.remsi %scan3A_141, %rem3A_142 : i32
        %dma_wait3A_144 = arith.constant 0 : i32
        %dma_wait3A_145 = arith.constant 0 : i32
        %dma_wait3A_146 = arith.constant 0 : i32
        %dma_wait3A_147 = tpu.memref_slice %arg11[%rem3A_143, %dma_wait3A_145, %dma_wait3A_146] : memref<4x80x128xf32, #tpu.memory_space<vmem>> -> memref<1x80x128xf32, #tpu.memory_space<vmem>>
        %dma_wait3A_148 = tpu.memref_squeeze %dma_wait3A_147 : memref<1x80x128xf32, #tpu.memory_space<vmem>> -> memref<80x128xf32, #tpu.memory_space<vmem>>
        %dma_wait3A_149 = arith.constant 0 : i32
        %dma_wait3A_150 = tpu.memref_slice %arg9[%dma_wait3A_144, %dma_wait3A_149] : memref<25x80xi32, #tpu.memory_space<vmem>> -> memref<1x80xi32, #tpu.memory_space<vmem>>
        %dma_wait3A_151 = tpu.memref_squeeze %dma_wait3A_150 : memref<1x80xi32, #tpu.memory_space<vmem>> -> memref<80xi32, #tpu.memory_space<vmem>>
        %dma_wait3A_152 = arith.constant 0 : i32
        %dma_wait3A_153 = arith.constant 0 : i32
        %dma_wait3A_154 = tpu.memref_slice %arg2[%dma_wait3A_152, %dma_wait3A_153] : memref<10000x128xf32, #tpu.memory_space<hbm>> -> memref<10000x128xf32, #tpu.memory_space<hbm>>
        %dma_wait3A_155 = tpu.memref_slice %arg15[%rem3A_143] : memref<4x!tpu.dma_semaphore, #tpu.memory_space<semaphore_mem>> -> memref<1x!tpu.dma_semaphore, #tpu.memory_space<semaphore_mem>>
        %dma_wait3A_156 = tpu.memref_squeeze %dma_wait3A_155 : memref<1x!tpu.dma_semaphore, #tpu.memory_space<semaphore_mem>> -> memref<!tpu.dma_semaphore, #tpu.memory_space<semaphore_mem>>
        tpu.wait_indirect_dma semaphore(%dma_wait3A_156 : memref<!tpu.dma_semaphore, #tpu.memory_space<semaphore_mem>>) src(%dma_wait3A_154 : memref<10000x128xf32, #tpu.memory_space<hbm>>) dst(%dma_wait3A_148 : memref<80x128xf32, #tpu.memory_space<vmem>>)
        %dma_start3A_157 = arith.constant 0 : i32
        %dma_start3A_158 = arith.constant 0 : i32
        %dma_start3A_159 = tpu.memref_slice %arg11[%rem3A_143, %dma_start3A_157, %dma_start3A_158] : memref<4x80x128xf32, #tpu.memory_space<vmem>> -> memref<1x80x128xf32, #tpu.memory_space<vmem>>
        %dma_start3A_160 = tpu.memref_squeeze %dma_start3A_159 : memref<1x80x128xf32, #tpu.memory_space<vmem>> -> memref<80x128xf32, #tpu.memory_space<vmem>>
        %dma_start3A_161 = arith.constant 0 : i32
        %dma_start3A_162 = tpu.memref_slice %arg10[%scan3A_141, %dma_start3A_161] : memref<25x80xi32, #tpu.memory_space<vmem>> -> memref<1x80xi32, #tpu.memory_space<vmem>>
        %dma_start3A_163 = tpu.memref_squeeze %dma_start3A_162 : memref<1x80xi32, #tpu.memory_space<vmem>> -> memref<80xi32, #tpu.memory_space<vmem>>
        %dma_start3A_164 = arith.constant 0 : i32
        %dma_start3A_165 = arith.constant 0 : i32
        %dma_start3A_166 = tpu.memref_slice %arg7[%dma_start3A_164, %dma_start3A_165] : memref<10000x128xf32, #tpu.memory_space<vmem_shared>> -> memref<10000x128xf32, #tpu.memory_space<vmem_shared>>
        %dma_start3A_167 = tpu.memref_slice %arg16[%rem3A_143] : memref<4x!tpu.dma_semaphore, #tpu.memory_space<semaphore_mem>> -> memref<1x!tpu.dma_semaphore, #tpu.memory_space<semaphore_mem>>
        %dma_start3A_168 = tpu.memref_squeeze %dma_start3A_167 : memref<1x!tpu.dma_semaphore, #tpu.memory_space<semaphore_mem>> -> memref<!tpu.dma_semaphore, #tpu.memory_space<semaphore_mem>>
        tpu.enqueue_indirect_dma source(%dma_start3A_160 : memref<80x128xf32, #tpu.memory_space<vmem>>) target(%dma_start3A_166 : memref<10000x128xf32, #tpu.memory_space<vmem_shared>>) offsets(%dma_start3A_163 : memref<80xi32, #tpu.memory_space<vmem>>) semaphore(%dma_start3A_168 : memref<!tpu.dma_semaphore, #tpu.memory_space<semaphore_mem>>) {add = true}
        %dma_start3A_169 = arith.constant 0 : i32
        %dma_start3A_170 = tpu.memref_slice %arg10[%scan3A_141, %dma_start3A_169] : memref<25x80xi32, #tpu.memory_space<vmem>> -> memref<1x80xi32, #tpu.memory_space<vmem>>
        %dma_start3A_171 = tpu.memref_squeeze %dma_start3A_170 : memref<1x80xi32, #tpu.memory_space<vmem>> -> memref<80xi32, #tpu.memory_space<vmem>>
        %dma_start3A_172 = arith.constant 0 : i32
        %dma_start3A_173 = tpu.memref_slice %arg8[%dma_start3A_172] : memref<10000xf32, #tpu.memory_space<vmem_shared>> -> memref<10000xf32, #tpu.memory_space<vmem_shared>>
        %dma_start3A_174 = tpu.memref_slice %arg17[%rem3A_143] : memref<4x!tpu.dma_semaphore, #tpu.memory_space<semaphore_mem>> -> memref<1x!tpu.dma_semaphore, #tpu.memory_space<semaphore_mem>>
        %dma_start3A_175 = tpu.memref_squeeze %dma_start3A_174 : memref<1x!tpu.dma_semaphore, #tpu.memory_space<semaphore_mem>> -> memref<!tpu.dma_semaphore, #tpu.memory_space<semaphore_mem>>
        tpu.enqueue_indirect_dma source(%arg12 : memref<80xf32, #tpu.memory_space<vmem>>) target(%dma_start3A_173 : memref<10000xf32, #tpu.memory_space<vmem_shared>>) offsets(%dma_start3A_171 : memref<80xi32, #tpu.memory_space<vmem>>) semaphore(%dma_start3A_175 : memref<!tpu.dma_semaphore, #tpu.memory_space<semaphore_mem>>) {add = true}
        %ge3A = arith.constant 1 : i32
        %ge3A_176 = arith.cmpi sge, %scan3A_141, %ge3A : i32
        %convert_element_type3A_177 = arith.extui %ge3A_176 : i1 to i32
        %cond3A_178 = arith.constant 0 : i32
        %cond3A_179 = arith.cmpi ne, %convert_element_type3A_177, %cond3A_178 : i32
        scf.if %cond3A_179 {
          %add3A_186 = arith.constant 4 : i32
          %add3A_187 = arith.addi %scan3A_141, %add3A_186 : i32
          %sub3A = arith.constant 1 : i32
          %sub3A_188 = arith.subi %add3A_187, %sub3A : i32
          %rem3A_189 = arith.constant 4 : i32
          %rem3A_190 = arith.remsi %sub3A_188, %rem3A_189 : i32
          %dma_wait3A_191 = arith.constant 0 : i32
          %dma_wait3A_192 = arith.constant 0 : i32
          %dma_wait3A_193 = arith.constant 0 : i32
          %dma_wait3A_194 = tpu.memref_slice %arg11[%rem3A_190, %dma_wait3A_192, %dma_wait3A_193] : memref<4x80x128xf32, #tpu.memory_space<vmem>> -> memref<1x80x128xf32, #tpu.memory_space<vmem>>
          %dma_wait3A_195 = tpu.memref_squeeze %dma_wait3A_194 : memref<1x80x128xf32, #tpu.memory_space<vmem>> -> memref<80x128xf32, #tpu.memory_space<vmem>>
          %dma_wait3A_196 = arith.constant 0 : i32
          %dma_wait3A_197 = tpu.memref_slice %arg10[%dma_wait3A_191, %dma_wait3A_196] : memref<25x80xi32, #tpu.memory_space<vmem>> -> memref<1x80xi32, #tpu.memory_space<vmem>>
          %dma_wait3A_198 = tpu.memref_squeeze %dma_wait3A_197 : memref<1x80xi32, #tpu.memory_space<vmem>> -> memref<80xi32, #tpu.memory_space<vmem>>
          %dma_wait3A_199 = arith.constant 0 : i32
          %dma_wait3A_200 = arith.constant 0 : i32
          %dma_wait3A_201 = tpu.memref_slice %arg7[%dma_wait3A_199, %dma_wait3A_200] : memref<10000x128xf32, #tpu.memory_space<vmem_shared>> -> memref<10000x128xf32, #tpu.memory_space<vmem_shared>>
          %dma_wait3A_202 = tpu.memref_slice %arg16[%rem3A_190] : memref<4x!tpu.dma_semaphore, #tpu.memory_space<semaphore_mem>> -> memref<1x!tpu.dma_semaphore, #tpu.memory_space<semaphore_mem>>
          %dma_wait3A_203 = tpu.memref_squeeze %dma_wait3A_202 : memref<1x!tpu.dma_semaphore, #tpu.memory_space<semaphore_mem>> -> memref<!tpu.dma_semaphore, #tpu.memory_space<semaphore_mem>>
          tpu.wait_indirect_dma semaphore(%dma_wait3A_203 : memref<!tpu.dma_semaphore, #tpu.memory_space<semaphore_mem>>) src(%dma_wait3A_195 : memref<80x128xf32, #tpu.memory_space<vmem>>) dst(%dma_wait3A_201 : memref<10000x128xf32, #tpu.memory_space<vmem_shared>>)
          %dma_wait3A_204 = arith.constant 0 : i32
          %dma_wait3A_205 = arith.constant 0 : i32
          %dma_wait3A_206 = tpu.memref_slice %arg10[%dma_wait3A_204, %dma_wait3A_205] : memref<25x80xi32, #tpu.memory_space<vmem>> -> memref<1x80xi32, #tpu.memory_space<vmem>>
          %dma_wait3A_207 = tpu.memref_squeeze %dma_wait3A_206 : memref<1x80xi32, #tpu.memory_space<vmem>> -> memref<80xi32, #tpu.memory_space<vmem>>
          %dma_wait3A_208 = arith.constant 0 : i32
          %dma_wait3A_209 = tpu.memref_slice %arg8[%dma_wait3A_208] : memref<10000xf32, #tpu.memory_space<vmem_shared>> -> memref<10000xf32, #tpu.memory_space<vmem_shared>>
          %dma_wait3A_210 = tpu.memref_slice %arg17[%rem3A_190] : memref<4x!tpu.dma_semaphore, #tpu.memory_space<semaphore_mem>> -> memref<1x!tpu.dma_semaphore, #tpu.memory_space<semaphore_mem>>
          %dma_wait3A_211 = tpu.memref_squeeze %dma_wait3A_210 : memref<1x!tpu.dma_semaphore, #tpu.memory_space<semaphore_mem>> -> memref<!tpu.dma_semaphore, #tpu.memory_space<semaphore_mem>>
          tpu.wait_indirect_dma semaphore(%dma_wait3A_211 : memref<!tpu.dma_semaphore, #tpu.memory_space<semaphore_mem>>) src(%arg12 : memref<80xf32, #tpu.memory_space<vmem>>) dst(%dma_wait3A_209 : memref<10000xf32, #tpu.memory_space<vmem_shared>>)
        } else {
        }
        %add3A_180 = arith.constant 3 : i32
        %add3A_181 = arith.addi %scan3A_141, %add3A_180 : i32
        %lt3A = arith.constant 25 : i32
        %lt3A_182 = arith.cmpi slt, %add3A_181, %lt3A : i32
        %convert_element_type3A_183 = arith.extui %lt3A_182 : i1 to i32
        %cond3A_184 = arith.constant 0 : i32
        %cond3A_185 = arith.cmpi ne, %convert_element_type3A_183, %cond3A_184 : i32
        scf.if %cond3A_185 {
          %add3A_186 = arith.constant 3 : i32
          %add3A_187 = arith.addi %scan3A_141, %add3A_186 : i32
          %add3A_188 = arith.constant 3 : i32
          %add3A_189 = arith.addi %scan3A_141, %add3A_188 : i32
          %rem3A_190 = arith.constant 4 : i32
          %rem3A_191 = arith.remsi %add3A_189, %rem3A_190 : i32
          %dma_start3A_192 = arith.constant 0 : i32
          %dma_start3A_193 = arith.constant 0 : i32
          %dma_start3A_194 = tpu.memref_slice %arg11[%rem3A_191, %dma_start3A_192, %dma_start3A_193] : memref<4x80x128xf32, #tpu.memory_space<vmem>> -> memref<1x80x128xf32, #tpu.memory_space<vmem>>
          %dma_start3A_195 = tpu.memref_squeeze %dma_start3A_194 : memref<1x80x128xf32, #tpu.memory_space<vmem>> -> memref<80x128xf32, #tpu.memory_space<vmem>>
          %dma_start3A_196 = arith.constant 0 : i32
          %dma_start3A_197 = tpu.memref_slice %arg9[%add3A_187, %dma_start3A_196] : memref<25x80xi32, #tpu.memory_space<vmem>> -> memref<1x80xi32, #tpu.memory_space<vmem>>
          %dma_start3A_198 = tpu.memref_squeeze %dma_start3A_197 : memref<1x80xi32, #tpu.memory_space<vmem>> -> memref<80xi32, #tpu.memory_space<vmem>>
          %dma_start3A_199 = arith.constant 0 : i32
          %dma_start3A_200 = arith.constant 0 : i32
          %dma_start3A_201 = tpu.memref_slice %arg2[%dma_start3A_199, %dma_start3A_200] : memref<10000x128xf32, #tpu.memory_space<hbm>> -> memref<10000x128xf32, #tpu.memory_space<hbm>>
          %dma_start3A_202 = tpu.memref_slice %arg15[%rem3A_191] : memref<4x!tpu.dma_semaphore, #tpu.memory_space<semaphore_mem>> -> memref<1x!tpu.dma_semaphore, #tpu.memory_space<semaphore_mem>>
          %dma_start3A_203 = tpu.memref_squeeze %dma_start3A_202 : memref<1x!tpu.dma_semaphore, #tpu.memory_space<semaphore_mem>> -> memref<!tpu.dma_semaphore, #tpu.memory_space<semaphore_mem>>
          tpu.enqueue_indirect_dma source(%dma_start3A_201 : memref<10000x128xf32, #tpu.memory_space<hbm>>) target(%dma_start3A_195 : memref<80x128xf32, #tpu.memory_space<vmem>>) offsets(%dma_start3A_198 : memref<80xi32, #tpu.memory_space<vmem>>) semaphore(%dma_start3A_203 : memref<!tpu.dma_semaphore, #tpu.memory_space<semaphore_mem>>)
        } else {
        }
      }
      %scan3A_117 = arith.constant 25 : i32
      %rem3A = arith.constant 24 : i32
      %rem3A_118 = arith.constant 4 : i32
      %rem3A_119 = arith.remsi %rem3A, %rem3A_118 : i32
      %dma_wait3A_120 = arith.constant 0 : i32
      %dma_wait3A_121 = arith.constant 0 : i32
      %dma_wait3A_122 = arith.constant 0 : i32
      %dma_wait3A_123 = tpu.memref_slice %arg11[%rem3A_119, %dma_wait3A_121, %dma_wait3A_122] : memref<4x80x128xf32, #tpu.memory_space<vmem>> -> memref<1x80x128xf32, #tpu.memory_space<vmem>>
      %dma_wait3A_124 = tpu.memref_squeeze %dma_wait3A_123 : memref<1x80x128xf32, #tpu.memory_space<vmem>> -> memref<80x128xf32, #tpu.memory_space<vmem>>
      %dma_wait3A_125 = arith.constant 0 : i32
      %dma_wait3A_126 = tpu.memref_slice %arg10[%dma_wait3A_120, %dma_wait3A_125] : memref<25x80xi32, #tpu.memory_space<vmem>> -> memref<1x80xi32, #tpu.memory_space<vmem>>
      %dma_wait3A_127 = tpu.memref_squeeze %dma_wait3A_126 : memref<1x80xi32, #tpu.memory_space<vmem>> -> memref<80xi32, #tpu.memory_space<vmem>>
      %dma_wait3A_128 = arith.constant 0 : i32
      %dma_wait3A_129 = arith.constant 0 : i32
      %dma_wait3A_130 = tpu.memref_slice %arg7[%dma_wait3A_128, %dma_wait3A_129] : memref<10000x128xf32, #tpu.memory_space<vmem_shared>> -> memref<10000x128xf32, #tpu.memory_space<vmem_shared>>
      %dma_wait3A_131 = tpu.memref_slice %arg16[%rem3A_119] : memref<4x!tpu.dma_semaphore, #tpu.memory_space<semaphore_mem>> -> memref<1x!tpu.dma_semaphore, #tpu.memory_space<semaphore_mem>>
      %dma_wait3A_132 = tpu.memref_squeeze %dma_wait3A_131 : memref<1x!tpu.dma_semaphore, #tpu.memory_space<semaphore_mem>> -> memref<!tpu.dma_semaphore, #tpu.memory_space<semaphore_mem>>
      tpu.wait_indirect_dma semaphore(%dma_wait3A_132 : memref<!tpu.dma_semaphore, #tpu.memory_space<semaphore_mem>>) src(%dma_wait3A_124 : memref<80x128xf32, #tpu.memory_space<vmem>>) dst(%dma_wait3A_130 : memref<10000x128xf32, #tpu.memory_space<vmem_shared>>)
      %dma_wait3A_133 = arith.constant 0 : i32
      %dma_wait3A_134 = arith.constant 0 : i32
      %dma_wait3A_135 = tpu.memref_slice %arg10[%dma_wait3A_133, %dma_wait3A_134] : memref<25x80xi32, #tpu.memory_space<vmem>> -> memref<1x80xi32, #tpu.memory_space<vmem>>
      %dma_wait3A_136 = tpu.memref_squeeze %dma_wait3A_135 : memref<1x80xi32, #tpu.memory_space<vmem>> -> memref<80xi32, #tpu.memory_space<vmem>>
      %dma_wait3A_137 = arith.constant 0 : i32
      %dma_wait3A_138 = tpu.memref_slice %arg8[%dma_wait3A_137] : memref<10000xf32, #tpu.memory_space<vmem_shared>> -> memref<10000xf32, #tpu.memory_space<vmem_shared>>
      %dma_wait3A_139 = tpu.memref_slice %arg17[%rem3A_119] : memref<4x!tpu.dma_semaphore, #tpu.memory_space<semaphore_mem>> -> memref<1x!tpu.dma_semaphore, #tpu.memory_space<semaphore_mem>>
      %dma_wait3A_140 = tpu.memref_squeeze %dma_wait3A_139 : memref<1x!tpu.dma_semaphore, #tpu.memory_space<semaphore_mem>> -> memref<!tpu.dma_semaphore, #tpu.memory_space<semaphore_mem>>
      tpu.wait_indirect_dma semaphore(%dma_wait3A_140 : memref<!tpu.dma_semaphore, #tpu.memory_space<semaphore_mem>>) src(%arg12 : memref<80xf32, #tpu.memory_space<vmem>>) dst(%dma_wait3A_138 : memref<10000xf32, #tpu.memory_space<vmem_shared>>)
    }
    %scan3A_44 = arith.constant 5 : i32
    %barrier3A_45 = arith.constant 0 : index
    tpu.barrier barrier_id(%barrier3A_45)
    %dma_start3A_46 = arith.constant 0 : i32
    %dma_start3A_47 = tpu.memref_slice %arg5[%arg0, %mul3A_22, %dma_start3A_46] : memref<2x10000x128xf32, #tpu.memory_space<hbm>> -> memref<1x624x128xf32, #tpu.memory_space<hbm>>
    %dma_start3A_48 = tpu.memref_squeeze %dma_start3A_47 : memref<1x624x128xf32, #tpu.memory_space<hbm>> -> memref<624x128xf32, #tpu.memory_space<hbm>>
    %dma_start3A_49 = arith.constant 0 : i32
    %dma_start3A_50 = tpu.memref_slice %arg7[%mul3A_22, %dma_start3A_49] : memref<10000x128xf32, #tpu.memory_space<vmem_shared>> -> memref<624x128xf32, #tpu.memory_space<vmem_shared>>
    tpu.enqueue_dma source(%dma_start3A_50 : memref<624x128xf32, #tpu.memory_space<vmem_shared>>) target(%dma_start3A_48 : memref<624x128xf32, #tpu.memory_space<hbm>>) target_semaphore(%arg18 : memref<!tpu.dma_semaphore, #tpu.memory_space<semaphore_mem>>)
    %dma_start3A_51 = tpu.memref_slice %arg6[%arg0, %mul3A_22] : memref<2x10000xf32, #tpu.memory_space<hbm>> -> memref<1x624xf32, #tpu.memory_space<hbm>>
    %dma_start3A_52 = tpu.memref_squeeze %dma_start3A_51 : memref<1x624xf32, #tpu.memory_space<hbm>> -> memref<624xf32, #tpu.memory_space<hbm>>
    %dma_start3A_53 = tpu.memref_slice %arg8[%mul3A_22] : memref<10000xf32, #tpu.memory_space<vmem_shared>> -> memref<624xf32, #tpu.memory_space<vmem_shared>>
    tpu.enqueue_dma source(%dma_start3A_53 : memref<624xf32, #tpu.memory_space<vmem_shared>>) target(%dma_start3A_52 : memref<624xf32, #tpu.memory_space<hbm>>) target_semaphore(%arg18 : memref<!tpu.dma_semaphore, #tpu.memory_space<semaphore_mem>>)
    %eq3A_54 = arith.constant 15 : i32
    %eq3A_55 = arith.cmpi eq, %arg1, %eq3A_54 : i32
    %convert_element_type3A_56 = arith.extui %eq3A_55 : i1 to i32
    %cond3A_57 = arith.constant 0 : i32
    %cond3A_58 = arith.cmpi ne, %convert_element_type3A_56, %cond3A_57 : i32
    scf.if %cond3A_58 {
      "tpu.region"() ({
        %run_scoped3A = tpu.sem_alloc : memref<!tpu.dma_semaphore, #tpu.memory_space<semaphore_mem>>
        %dma_start3A_67 = arith.constant 9984 : i32
        %dma_start3A_68 = arith.constant 0 : i32
        %dma_start3A_69 = tpu.memref_slice %arg5[%arg0, %dma_start3A_67, %dma_start3A_68] : memref<2x10000x128xf32, #tpu.memory_space<hbm>> -> memref<1x16x128xf32, #tpu.memory_space<hbm>>
        %dma_start3A_70 = tpu.memref_squeeze %dma_start3A_69 : memref<1x16x128xf32, #tpu.memory_space<hbm>> -> memref<16x128xf32, #tpu.memory_space<hbm>>
        %dma_start3A_71 = arith.constant 9984 : i32
        %dma_start3A_72 = arith.constant 0 : i32
        %dma_start3A_73 = tpu.memref_slice %arg7[%dma_start3A_71, %dma_start3A_72] : memref<10000x128xf32, #tpu.memory_space<vmem_shared>> -> memref<16x128xf32, #tpu.memory_space<vmem_shared>>
        tpu.enqueue_dma source(%dma_start3A_73 : memref<16x128xf32, #tpu.memory_space<vmem_shared>>) target(%dma_start3A_70 : memref<16x128xf32, #tpu.memory_space<hbm>>) target_semaphore(%run_scoped3A : memref<!tpu.dma_semaphore, #tpu.memory_space<semaphore_mem>>)
        %dma_wait3A_74 = arith.constant 9984 : i32
        %dma_wait3A_75 = arith.constant 0 : i32
        %dma_wait3A_76 = tpu.memref_slice %arg5[%arg0, %dma_wait3A_74, %dma_wait3A_75] : memref<2x10000x128xf32, #tpu.memory_space<hbm>> -> memref<1x16x128xf32, #tpu.memory_space<hbm>>
        %dma_wait3A_77 = tpu.memref_squeeze %dma_wait3A_76 : memref<1x16x128xf32, #tpu.memory_space<hbm>> -> memref<16x128xf32, #tpu.memory_space<hbm>>
        %dma_wait3A_78 = arith.constant 9984 : i32
        %dma_wait3A_79 = arith.constant 0 : i32
        %dma_wait3A_80 = tpu.memref_slice %arg7[%dma_wait3A_78, %dma_wait3A_79] : memref<10000x128xf32, #tpu.memory_space<vmem_shared>> -> memref<16x128xf32, #tpu.memory_space<vmem_shared>>
        tpu.wait_dma2 semaphore(%run_scoped3A : memref<!tpu.dma_semaphore, #tpu.memory_space<semaphore_mem>>) src(%dma_wait3A_80 : memref<16x128xf32, #tpu.memory_space<vmem_shared>>) dst(%dma_wait3A_77 : memref<16x128xf32, #tpu.memory_space<hbm>>)
        tpu.yield
      }) : () -> ()
      "tpu.region"() ({
        %run_scoped3A = tpu.sem_alloc : memref<!tpu.dma_semaphore, #tpu.memory_space<semaphore_mem>>
        %dma_start3A_67 = arith.constant 9984 : i32
        %dma_start3A_68 = tpu.memref_slice %arg6[%arg0, %dma_start3A_67] : memref<2x10000xf32, #tpu.memory_space<hbm>> -> memref<1x16xf32, #tpu.memory_space<hbm>>
        %dma_start3A_69 = tpu.memref_squeeze %dma_start3A_68 : memref<1x16xf32, #tpu.memory_space<hbm>> -> memref<16xf32, #tpu.memory_space<hbm>>
        %dma_start3A_70 = arith.constant 9984 : i32
        %dma_start3A_71 = tpu.memref_slice %arg8[%dma_start3A_70] : memref<10000xf32, #tpu.memory_space<vmem_shared>> -> memref<16xf32, #tpu.memory_space<vmem_shared>>
        tpu.enqueue_dma source(%dma_start3A_71 : memref<16xf32, #tpu.memory_space<vmem_shared>>) target(%dma_start3A_69 : memref<16xf32, #tpu.memory_space<hbm>>) target_semaphore(%run_scoped3A : memref<!tpu.dma_semaphore, #tpu.memory_space<semaphore_mem>>)
        %dma_wait3A_72 = arith.constant 9984 : i32
        %dma_wait3A_73 = tpu.memref_slice %arg6[%arg0, %dma_wait3A_72] : memref<2x10000xf32, #tpu.memory_space<hbm>> -> memref<1x16xf32, #tpu.memory_space<hbm>>
        %dma_wait3A_74 = tpu.memref_squeeze %dma_wait3A_73 : memref<1x16xf32, #tpu.memory_space<hbm>> -> memref<16xf32, #tpu.memory_space<hbm>>
        %dma_wait3A_75 = arith.constant 9984 : i32
        %dma_wait3A_76 = tpu.memref_slice %arg8[%dma_wait3A_75] : memref<10000xf32, #tpu.memory_space<vmem_shared>> -> memref<16xf32, #tpu.memory_space<vmem_shared>>
        tpu.wait_dma2 semaphore(%run_scoped3A : memref<!tpu.dma_semaphore, #tpu.memory_space<semaphore_mem>>) src(%dma_wait3A_76 : memref<16xf32, #tpu.memory_space<vmem_shared>>) dst(%dma_wait3A_74 : memref<16xf32, #tpu.memory_space<hbm>>)
        tpu.yield
      }) : () -> ()
    } else {
    }
    %dma_wait3A_59 = arith.constant 0 : i32
    %dma_wait3A_60 = tpu.memref_slice %arg5[%arg0, %mul3A_22, %dma_wait3A_59] : memref<2x10000x128xf32, #tpu.memory_space<hbm>> -> memref<1x624x128xf32, #tpu.memory_space<hbm>>
    %dma_wait3A_61 = tpu.memref_squeeze %dma_wait3A_60 : memref<1x624x128xf32, #tpu.memory_space<hbm>> -> memref<624x128xf32, #tpu.memory_space<hbm>>
    %dma_wait3A_62 = arith.constant 0 : i32
    %dma_wait3A_63 = tpu.memref_slice %arg7[%mul3A_22, %dma_wait3A_62] : memref<10000x128xf32, #tpu.memory_space<vmem_shared>> -> memref<624x128xf32, #tpu.memory_space<vmem_shared>>
    tpu.wait_dma2 semaphore(%arg18 : memref<!tpu.dma_semaphore, #tpu.memory_space<semaphore_mem>>) src(%dma_wait3A_63 : memref<624x128xf32, #tpu.memory_space<vmem_shared>>) dst(%dma_wait3A_61 : memref<624x128xf32, #tpu.memory_space<hbm>>)
    %dma_wait3A_64 = tpu.memref_slice %arg6[%arg0, %mul3A_22] : memref<2x10000xf32, #tpu.memory_space<hbm>> -> memref<1x624xf32, #tpu.memory_space<hbm>>
    %dma_wait3A_65 = tpu.memref_squeeze %dma_wait3A_64 : memref<1x624xf32, #tpu.memory_space<hbm>> -> memref<624xf32, #tpu.memory_space<hbm>>
    %dma_wait3A_66 = tpu.memref_slice %arg8[%mul3A_22] : memref<10000xf32, #tpu.memory_space<vmem_shared>> -> memref<624xf32, #tpu.memory_space<vmem_shared>>
    tpu.wait_dma2 semaphore(%arg18 : memref<!tpu.dma_semaphore, #tpu.memory_space<semaphore_mem>>) src(%dma_wait3A_66 : memref<624xf32, #tpu.memory_space<vmem_shared>>) dst(%dma_wait3A_65 : memref<624xf32, #tpu.memory_space<hbm>>)
    return
  }
}

module attributes {stable_mosaic.version = 14 : i64} {
  func.func @_tc_body(%arg0: i32, %arg1: memref<2x1000x128xf32, #tpu.memory_space<vmem>>, %arg2: memref<1x2x1000xf32, #tpu.memory_space<vmem>>, %arg3: memref<1000x128xf32, #tpu.memory_space<vmem>>, %arg4: memref<128x128xf32, #tpu.memory_space<vmem>>, %arg5: memref<128x128xf32, #tpu.memory_space<vmem>>, %arg6: memref<1000x128xf32, #tpu.memory_space<vmem>>) attributes {dimension_semantics = [#tpu.dimension_semantics<arbitrary>], iteration_bounds = array<i64: 10>, scalar_prefetch = 0 : i64, scratch_operands = 0 : i64, tpu.core_type = #tpu.core_type<tc>, window_params = [{transform_indices = @transform_0, window_bounds = array<i64: 2, 1000, 128>}, {transform_indices = @transform_1, window_bounds = array<i64: 1, 2, 1000>}, {transform_indices = @transform_2, window_bounds = array<i64: 1000, 128>}, {pipeline_mode = #tpu.pipeline_mode<synchronous>, transform_indices = @transform_3, window_bounds = array<i64: 128, 128>}, {pipeline_mode = #tpu.pipeline_mode<synchronous>, transform_indices = @transform_4, window_bounds = array<i64: 128, 128>}, {transform_indices = @transform_5, window_bounds = array<i64: 1000, 128>}]} {
    %get3A = arith.constant 0 : index
    %get3A_0 = arith.constant 0 : index
    %get3A_1 = arith.constant 0 : index
    %get3A_2 = vector.load %arg1[%get3A, %get3A_0, %get3A_1] : memref<2x1000x128xf32, #tpu.memory_space<vmem>>, vector<1x1000x128xf32>
    %get3A_3 = vector.shape_cast %get3A_2 : vector<1x1000x128xf32> to vector<1000x128xf32>
    %get3A_4 = arith.constant 1 : index
    %get3A_5 = arith.constant 0 : index
    %get3A_6 = arith.constant 0 : index
    %get3A_7 = vector.load %arg1[%get3A_4, %get3A_5, %get3A_6] : memref<2x1000x128xf32, #tpu.memory_space<vmem>>, vector<1x1000x128xf32>
    %get3A_8 = vector.shape_cast %get3A_7 : vector<1x1000x128xf32> to vector<1000x128xf32>
    %add3A = arith.addf %get3A_3, %get3A_8 : vector<1000x128xf32>
    %get3A_9 = arith.constant 0 : index
    %get3A_10 = arith.constant 0 : index
    %get3A_11 = arith.constant 0 : index
    %get3A_12 = vector.load %arg2[%get3A_9, %get3A_10, %get3A_11] : memref<1x2x1000xf32, #tpu.memory_space<vmem>>, vector<1x1x1000xf32>
    %get3A_13 = vector.shape_cast %get3A_12 : vector<1x1x1000xf32> to vector<1000xf32>
    %get3A_14 = arith.constant 0 : index
    %get3A_15 = arith.constant 1 : index
    %get3A_16 = arith.constant 0 : index
    %get3A_17 = vector.load %arg2[%get3A_14, %get3A_15, %get3A_16] : memref<1x2x1000xf32, #tpu.memory_space<vmem>>, vector<1x1x1000xf32>
    %get3A_18 = vector.shape_cast %get3A_17 : vector<1x1x1000xf32> to vector<1000xf32>
    %add3A_19 = arith.addf %get3A_13, %get3A_18 : vector<1000xf32>
    %max3A = arith.constant 1.000000e+00 : f32
    %max3A_20 = vector.broadcast %max3A : f32 to vector<1000xf32>
    %max3A_21 = arith.maximumf %add3A_19, %max3A_20 : vector<1000xf32>
    %broadcast_in_dim3A = vector.shape_cast %max3A_21 : vector<1000xf32> to vector<1000x1xf32>
    %div3A = vector.broadcast %broadcast_in_dim3A : vector<1000x1xf32> to vector<1000x128xf32>
    %div3A_22 = arith.divf %add3A, %div3A : vector<1000x128xf32>
    %get3A_23 = arith.constant 0 : index
    %get3A_24 = arith.constant 0 : index
    %get3A_25 = vector.load %arg4[%get3A_23, %get3A_24] : memref<128x128xf32, #tpu.memory_space<vmem>>, vector<128x128xf32>
    %dot_general3A = arith.constant dense<0.000000e+00> : vector<1000x128xf32>
    %dot_general3A_26 = tpu.matmul %div3A_22, %get3A_25, %dot_general3A {dimension_numbers = #tpu.dot_dimension_numbers<[1], [1], [0], [0], [0, 0, 1, 0], [], []>, transpose_lhs_hint = false} : vector<1000x128xf32>, vector<128x128xf32>, vector<1000x128xf32> -> vector<1000x128xf32>
    %get3A_27 = arith.constant 0 : index
    %get3A_28 = arith.constant 0 : index
    %get3A_29 = vector.load %arg3[%get3A_27, %get3A_28] : memref<1000x128xf32, #tpu.memory_space<vmem>>, vector<1000x128xf32>
    %get3A_30 = arith.constant 0 : index
    %get3A_31 = arith.constant 0 : index
    %get3A_32 = vector.load %arg5[%get3A_30, %get3A_31] : memref<128x128xf32, #tpu.memory_space<vmem>>, vector<128x128xf32>
    %dot_general3A_33 = arith.constant dense<0.000000e+00> : vector<1000x128xf32>
    %dot_general3A_34 = tpu.matmul %get3A_29, %get3A_32, %dot_general3A_33 {dimension_numbers = #tpu.dot_dimension_numbers<[1], [1], [0], [0], [0, 0, 1, 0], [], []>, transpose_lhs_hint = false} : vector<1000x128xf32>, vector<128x128xf32>, vector<1000x128xf32> -> vector<1000x128xf32>
    %add3A_35 = arith.addf %dot_general3A_26, %dot_general3A_34 : vector<1000x128xf32>
    %swap3A = arith.constant 0 : index
    %swap3A_36 = arith.constant 0 : index
    %swap3A_37 = vector.load %arg6[%swap3A, %swap3A_36] : memref<1000x128xf32, #tpu.memory_space<vmem>>, vector<1000x128xf32>
    tpu.vector_store %arg6[%swap3A, %swap3A_36], %add3A_35 {strides = array<i32>} : memref<1000x128xf32, #tpu.memory_space<vmem>>, vector<1000x128xf32>,
    return
  }
  func.func @transform_0(%arg0: i32) -> (i32, i32, i32) {
    %c0_i32 = arith.constant 0 : i32
    %c0_i32_0 = arith.constant 0 : i32
    %c0_i32_1 = arith.constant 0 : i32
    return %c0_i32, %arg0, %c0_i32_0 : i32, i32, i32
  }
  func.func @transform_1(%arg0: i32) -> (i32, i32, i32) {
    %c0_i32 = arith.constant 0 : i32
    %c0_i32_0 = arith.constant 0 : i32
    %c0_i32_1 = arith.constant 0 : i32
    return %arg0, %c0_i32, %c0_i32_0 : i32, i32, i32
  }
  func.func @transform_2(%arg0: i32) -> (i32, i32) {
    %c0_i32 = arith.constant 0 : i32
    %c0_i32_0 = arith.constant 0 : i32
    return %arg0, %c0_i32 : i32, i32
  }
  func.func @transform_3(%arg0: i32) -> (i32, i32) {
    %c0_i32 = arith.constant 0 : i32
    %c0_i32_0 = arith.constant 0 : i32
    %c0_i32_1 = arith.constant 0 : i32
    return %c0_i32, %c0_i32_0 : i32, i32
  }
  func.func @transform_4(%arg0: i32) -> (i32, i32) {
    %c0_i32 = arith.constant 0 : i32
    %c0_i32_0 = arith.constant 0 : i32
    %c0_i32_1 = arith.constant 0 : i32
    return %c0_i32, %c0_i32_0 : i32, i32
  }
  func.func @transform_5(%arg0: i32) -> (i32, i32) {
    %c0_i32 = arith.constant 0 : i32
    %c0_i32_0 = arith.constant 0 : i32
    return %arg0, %c0_i32 : i32, i32
  }
}

</mosaic_0001>

<sc_bundles>
// kernel: kernel.4.cloned.1.call-start
scs
__scs_entry_jumppad:
0x0: {  	(pc) =	sbr.rel $0x88, $3  }
0x1: {  	(tag) =	ssettag $0x0;
	lr =	simm.s32 $0x1  }
0x2: {  	[smem:$0x3F9D] =	sst lr;
	_ =	strace $0xD0000000  }
0x3: {  	_ = 	snop  }
0x4: {  	_ = 	snop  }
0x5: {  	_ = 	snop  }
0x6: {  	_ = 	snop  }
0x7: {  	_ = 	snop  }
__scs_overlays_trampoline_lowered:
0x8: {  	[smem:$0x3FAC] =	sst s0  }
0x9: {  	[smem:$0x3FAD] =	sst s1  }
0xa: {  	[smem:$0x3FAE] =	sst s2  }
0xb: {  	[smem:$0x3FAF] =	sst s3  }
0xc: {  	[smem:$0x3FB0] =	sst s4  }
0xd: {  	[smem:$0x3FB1] =	sst s5  }
0xe: {  	[smem:$0x3FB2] =	sst s6  }
0xf: {  	[smem:$0x3FB3] =	sst s7  }
0x10: {  	[smem:$0x3FB4] =	sst s8  }
0x11: {  	[smem:$0x3FB5] =	sst s9;
	s0 =	simm.s32 @!p0 $0x0  }
0x12: {  	s1 =	sld [smem:$0x3F9B];
	s0 =	simm.s32 @p0 $0x1  }
0x13: {  	[smem:$0x3FB6] =	sst s0;
	s0 =	simm.s32 @!p1 $0x0  }
0x14: {  	s2 =	sld [smem:$0x3F9A];
	s0 =	simm.s32 @p1 $0x1  }
0x15: {  	[smem:$0x3FB7] =	sst s0;
	s0 =	simm.s32 @!p2 $0x0  }
0x16: {  	s3 =	sld [smem:$0x3FDB];
	s0 =	simm.s32 @p2 $0x1  }
0x17: {  	s4 =	simm.s32 $0x1BF5;
	[smem:$0x3FB9] =	sst s0  }
0x18: {  	s0 =	sld [smem:$0x3F9C];
	_ =	swait.ge [sflag:s4], $0x0  }
0x19: {  	s7 =	sld [smem:$0x3F9D]  }
0x1a: {  	s8 =	sadd.s32 $0xFFFFE003, lr  }
0x1b: {  	s9 =	sadd.s32 $0xFFFFFEF7, lr;
	s5 =	simm.s32 $0xFFFFFFFF;
	p2 =	slt.u32 s8, $0xFFFFF086  }
0x1c: {  	p1 =	slt.u32 s9, $0xF7A;
	s5 =	simm.s32 @!p2 $0x0  }
0x1d: {  	s5 =	simm.s32 @p1 $0x1;
	p0 =	seq.s32 s7, s2  }
0x1e: {  	s7 =	smul.u32 @!p0 $0xF7A, s2;
	p2 =	seq.s32 @!p0 s5, $0x0  }
0x1f: {  	s9 =	smul.u32 $0xF7A, s1;
	s8 =	simm.s32 @!p0 $0x1BF5;
	p2 =	por !p2, p0  }
0x20: {  	[sflag:s8] =	ssyncset.s32 @!p0 $0xFFFFF086;
	s6 =	sadd.s32 @!p0 s3, s7;
	s7 =	simm.s32 @!p0 $0x108  }
0x21: {  	s3 =	sadd.s32 s3, s9;
	s6 =	sadd.s32 @!p0 $0x88, s6;
	s7 =	simm.s32 @p2 $0x1082  }
0x22: {  	[simem:s7], [sflag:s8] =	dma.local @!p0 [hbm:s6], $0xF7A  }
0x23: {  	s9 =	sor.u32 $0xD0000000, s2;
	s6 =	simm.s32 $0x108;
	_ =	swait.ge @!p0 [sflag:s8], $0x0  }
0x24: {  	s3 =	sadd.s32 $0x88, s3;
	s6 =	simm.s32 @!p1 $0x1082;
	[sflag:s4] =	ssyncset.s32 $0xFFFFF086  }
0x25: {  	[simem:s6], [sflag:s4] =	dma.local [hbm:s3], $0xF7A  }
0x26: {  	[smem:$0x3F9D] =	sst s1;
	(tag) =	ssettag s2;
	_ =	strace s9  }
0x27: {  	s1 =	sld [smem:$0x3FAD]  }
0x28: {  	s2 =	sld [smem:$0x3FAE]  }
0x29: {  	s4 =	sld [smem:$0x3FB0]  }
0x2a: {  	p0 =	seq.s32 s5, $0x0;
	s5 =	sld [smem:$0x3FB1]  }
0x2b: {  	s6 =	sld [smem:$0x3FB2]  }
0x2c: {  	s7 =	sld [smem:$0x3FB3]  }
0x2d: {  	s3 =	simm.s32 $0x108;
	s8 =	sld [smem:$0x3FB4]  }
0x2e: {  	s3 =	simm.s32 @!p0 $0x1082;
	s9 =	sld [smem:$0x3FB5]  }
0x2f: {  	lr =	sadd.s32 s0, s3;
	s0 =	sld [smem:$0x3FAC]  }
0x30: {  	s3 =	sld [smem:$0x3FAF]  }
0x31: {  	[smem:$0x3FB8] =	sst s10  }
0x32: {  	s10 =	sld [smem:$0x3FB6];
	_ =	sdelay $0x3  }
0x33: {  	p0 =	seq.s32 s10, $0x1;
	s10 =	sld [smem:$0x3FB8];
	_ =	sdelay $0x3  }
0x34: {  	[smem:$0x3FB8] =	sst s10  }
0x35: {  	s10 =	sld [smem:$0x3FB7];
	_ =	sdelay $0x3  }
0x36: {  	p1 =	seq.s32 s10, $0x1;
	s10 =	sld [smem:$0x3FB8];
	_ =	sdelay $0x3  }
0x37: {  	[smem:$0x3FB8] =	sst s10  }
0x38: {  	s10 =	sld [smem:$0x3FB9]  }
0x39: {  	_ = 	snop;
	(pc) =	sbr.ind lr, $3  }
0x3a: {  	_ = 	snop  }
0x3b: {  	_ = 	snop  }
0x3c: {  	p2 =	seq.s32 s10, $0x1;
	s10 =	sld [smem:$0x3FB8]  }
0x3d: {  	_ =	shalt  }
0x3e: {  	_ =	shalt  }
0x3f: {  	_ =	shalt  }
0x40: {  	_ =	shalt  }
0x41: {  	_ =	shalt  }
0x42: {  	_ =	shalt  }
0x43: {  	_ =	shalt  }
0x44: {  	_ =	shalt  }
0x45: {  	_ =	shalt  }
0x46: {  	_ =	shalt  }
0x47: {  	_ =	shalt  }
0x48: {  	_ =	shalt  }
0x49: {  	_ =	shalt  }
0x4a: {  	_ =	shalt  }
0x4b: {  	_ =	shalt  }
0x4c: {  	_ =	shalt  }
0x4d: {  	_ =	shalt  }
0x4e: {  	_ =	shalt  }
0x4f: {  	_ =	shalt  }
0x50: {  	_ =	shalt  }
0x51: {  	_ =	shalt  }
0x52: {  	_ =	shalt  }
0x53: {  	_ =	shalt  }
0x54: {  	_ =	shalt  }
0x55: {  	_ =	shalt  }
0x56: {  	_ =	shalt  }
0x57: {  	_ =	shalt  }
0x58: {  	_ =	shalt  }
0x59: {  	_ =	shalt  }
0x5a: {  	_ =	shalt  }
0x5b: {  	_ =	shalt  }
0x5c: {  	_ =	shalt  }
0x5d: {  	_ =	shalt  }
0x5e: {  	_ =	shalt  }
0x5f: {  	_ =	shalt  }
0x60: {  	_ =	shalt  }
0x61: {  	_ =	shalt  }
0x62: {  	_ =	shalt  }
0x63: {  	_ =	shalt  }
0x64: {  	_ =	shalt  }
0x65: {  	_ =	shalt  }
0x66: {  	_ =	shalt  }
0x67: {  	_ =	shalt  }
0x68: {  	_ =	shalt  }
0x69: {  	_ =	shalt  }
0x6a: {  	_ =	shalt  }
0x6b: {  	_ =	shalt  }
0x6c: {  	_ =	shalt  }
0x6d: {  	_ =	shalt  }
0x6e: {  	_ =	shalt  }
0x6f: {  	_ =	shalt  }
0x70: {  	_ =	shalt  }
0x71: {  	_ =	shalt  }
0x72: {  	_ =	shalt  }
0x73: {  	_ =	shalt  }
0x74: {  	_ =	shalt  }
0x75: {  	_ =	shalt  }
0x76: {  	_ =	shalt  }
0x77: {  	_ =	shalt  }
0x78: {  	_ =	shalt  }
0x79: {  	_ =	shalt  }
0x7a: {  	_ =	shalt  }
0x7b: {  	_ =	shalt  }
0x7c: {  	_ =	shalt  }
0x7d: {  	_ =	shalt  }
0x7e: {  	_ =	shalt  }
0x7f: {  	_ =	shalt  }
0x80: {  	_ =	shalt  }
0x81: {  	_ =	shalt  }
0x82: {  	_ =	shalt  }
0x83: {  	_ =	shalt  }
0x84: {  	_ =	shalt  }
0x85: {  	_ =	shalt  }
0x86: {  	_ =	shalt  }
0x87: {  	_ =	shalt  }
.Lfunc_end0:
.L_simem_size_0:
called_computation_lowered:
.L_overlay_start_0:
0x88: {  	s2 =	sld [smem:$0x3FD9]  }
0x89: {  	s3 =	sld [smem:$0x3FFE];
	_ =	sdelay $0x1  }
0x8a: {  	s1 =	srdreg.scid  }
0x8b: {  	s0 =	sand.u32 $0x1, s1  }
0x8c: {  	s17 =	sshll.u32 s0, $0xA;
	s2 =	sadd.s32 s3, s2  }
0x8d: {  	s2 =	sadd.s32 s2, s17  }
0x8e: {  	[smem:$0x3FC4] =	sst s2  }
0x8f: {  	_ = 	snop  }
0x90: {  	s2 =	sld [smem:$0x3FC9]  }
0x91: {  	s18 =	sld [smem:$0x3FD0];
	(tm) =	ssettm $0x1  }
0x92: {  	s4 =	sld [smem:$0x3FFB];
	_ =	sdelay $0x3  }
0x93: {  	_ =	strace s4  }
0x94: {  	s4 =	sld [smem:$0x3FFC];
	_ =	sdelay $0x3  }
0x95: {  	_ =	strace s4  }
0x96: {  	s4 =	sld [smem:$0x3FFD];
	_ =	sdelay $0x3  }
0x97: {  	_ =	strace s4  }
0x98: {  	_ =	strace $0x8FFFFFFF  }
0x99: {  	s19 =	sld [smem:$0x3FDB];
	_ =	sdelay $0x1  }
0x9a: {  	s5 =	simm.s32 $_scs_section_size  }
0x9b: {  	s6 =	simm.s32 $_size__tile_overlayer_lowered;
	s7 =	simm.s32 $_tile_overlayer_lowered  }
0x9c: {  	s22 =	simm.s32 $0x1BFF;
	s21 =	sshll.u32 s7, $0x1;
	s4 =	sadd.s32 s5, s19  }
0x9d: {  	s8 =	simm.s32 $0x0;
	s20 =	sshll.u32 s6, $0x1;
	s6 =	sadd.s32 s21, s4  }
0x9e: {  	[timem:s8], [sflag:s22] =	dma.local [hbm:s6], s20  }
0x9f: {  	_ =	swait.ge [sflag:s22], s20  }
0xa0: {  	s5 =	ssub.s32 $0x0, s20;
	[sflag:s22] =	ssyncset.done $0x0  }
0xa1: {  	[sflag:s22] =	ssyncadd.s32 s5;
	_ =	sdelay $0x1  }
0xa2: {  	s23 =	simm.s32 $0x1B8B  }
0xa3: {  	_ =	swait.ge [sflag:s23], $0x1  }
0xa4: {  	[sflag:s23] =	ssyncset.done $0x0  }
0xa5: {  	s25 =	simm.s32 $0x1B8E;
	s24 =	sld [smem:$0x3FFE];
	[sflag:s23] =	ssyncadd.s32 $0xFFFFFFFF  }
0xa6: {  	s26 =	simm.s32 $execute0_lowered;
	[smem:$0x3FD2] =	sst s25  }
0xa7: {  	s6 =	sshll.u32 s26, $0x1;
	_ =	strace $0x80000046;
	[dreg:$0x1] =	wrdreg $0xFFFFFFFF  }
0xa8: {  	s28 =	simm.s32 $_size_execute0_lowered;
	s4 =	sadd.s32 s4, s6;
	[dreg:$0x0] =	wrdreg $0x0  }
0xa9: {  	s6 =	sshll.u32 s28, $0x1;
	[dreg:$0x2] =	wrdreg s4  }
0xaa: {  	[dreg:$0x3] =	wrdreg s6  }
0xab: {  	[dreg:$0x4] =	wrdreg $0xC0  }
0xac: {  	_ =	task [dreg:s8], $0x5FFFF  }
0xad: {  	[dreg:$0x1] =	wrdreg $0xFFFFFFFF  }
0xae: {  	[dreg:$0x0] =	wrdreg $0x60  }
0xaf: {  	[dreg:$0x2] =	wrdreg s2  }
0xb0: {  	[dreg:$0x3] =	wrdreg s24  }
0xb1: {  	[dreg:$0x4] =	wrdreg s18  }
0xb2: {  	[dreg:$0x5] =	wrdreg $0x0  }
0xb3: {  	[dreg:$0x6] =	wrdreg $0x138800  }
0xb4: {  	[dreg:$0x7] =	wrdreg $0x9  }
0xb5: {  	_ =	task.clear_ibuf [dreg:s8], $0x8FFFF;
	_ =	strace $0x90000046  }
0xb6: {  	s29 =	simm.s32 $0x9;
	_ =	strace $0x80000048  }
0xb7: {  	_ =	swait.ge [sflag:s29], $0x1  }
0xb8: {  	[sflag:s29] =	ssyncadd.s32 $0xFFFFFFFF  }
0xb9: {  	_ =	strace $0x90000048  }
0xba: {  	_ =	sfence  }
0xbb: {  	s30 =	sld [smem:$0x0];
	_ =	sdelay $0x2  }
0xbc: {  	s31 =	sshll.u32 s1, $0xD;
	s1 =	sshrl.u32 s1, $0x2  }
0xbd: {  	s3 =	sand.u32 $0x4000, s31;
	s1 =	sadd.s32 s1, s30  }
0xbe: {  	s0 =	sor.u32 s3, s0;
	s1 =	sshll.u32 s1, $0x11  }
0xbf: {  	s0 =	sor.u32 s1, s0  }
0xc0: {  	s0 =	sadd.s32 $0x8F2B, s0  }
0xc1: {  	[sflag:s0] =	ssyncadd.remote.s32 $0x1  }
0xc2: {  	_ =	sfence.sel $0xFFFF  }
0xc3: {  	[dreg:$0x0] =	wrdreg $0xFFFFFFFF;
	(pc) =	sbr.abs _section_cstart, $3  }
0xc4: {  	[dreg:$0x1] =	wrdreg $0xFFFFFFFF  }
0xc5: {  	_ =	task.clear_ibuf [dreg:s8], $0x2FFFF;
	_ =	strace $0x9FFFFFFF  }
0xc6: {  	(tm) =	ssettm $0x7FFFFFFF  }
0xc7: {  	_ =	shalt  }
tec
execute0_lowered:
.L_overlay_start_1:
0x0: {  	(tag) =	ssettag $0x1  }
0x1: {  	s1 =	rddreg [dreg:$0x0]  }
0x2: {  	s0 =	rddreg [dreg:$0x1]  }
0x3: {  	s3 =	rddreg [dreg:$0x3]  }
0x4: {  	s4 =	rddreg [dreg:$0x4]  }
0x5: {  	s6 =	simm.s32 $0x0;
	s2 =	srdreg.scid;
	s15 =	stileid.u32  }
0x6: {  	[smem:$0x7FF] =	sst s6;
	s7 =	sadd.s32 $0xE00, s0;
	s5 =	smul.u32 $0x270, s15  }
0x7: {  	s2 =	sand.u32 $0x1, s2;
	s8 =	sadd.s32 $0xB600, s0;
	s10 =	smul.u32 $0x4E000, s15  }
0x8: {  	s0 =	sadd.s32 $0xAC00, s0;
	s14 =	smul.u32 $0x13800, s15;
	s24 =	sadd.s32 $0x138000, s3  }
0x9: {  	s25 =	sadd.s32 $0x2700, s4;
	_ =	strace $0x80000047;
	[dreg:$0x8] =	wrdreg s24  }
0xa: {  	p0 =	sne.s32 s15, $0xF;
	s9 =	ssub.s32 $0x2, s2;
	[dreg:$0x9] =	wrdreg s25  }
0xb: {  	s11 =	sshrl.u32 s9, $0x1;
	s10 =	sshrl.u32 s10, $0x2;
	s17 =	sadd.s32 s5, s4  }
0xc: {  	s9 =	ssub.s32 s9, s11;
	s16 =	sadd.s32 s10, s3;
	[dreg:$0x7] =	wrdreg s17  }
0xd: {  	s13 =	smul.u32 $0x138800, s2;
	s23 =	smax.u32 s9, $0x1;
	[dreg:$0x6] =	wrdreg s16  }
0xe: {  	s12 =	sshll.u32 s2, $0x4;
	s26 =	sadd.s32 $0x800, s16;
	[dreg:$0xe] =	wrdreg s23  }
0xf: {  	s2 =	smul.u32 $0x2710, s2;
	s28 =	sadd.s32 $0x1000, s16;
	[dreg:$0xf] =	wrdreg s26  }
0x10: {  	s12 =	sor.u32 s15, s12;
	s31 =	sadd.s32 $0x1800, s16;
	[dreg:$0x10] =	wrdreg s28  }
0x11: {  	s19 =	sadd.s32 s14, s3;
	s9 =	sadd.s32 $0x3800, s16;
	[dreg:$0x11] =	wrdreg s31  }
0x12: {  	s18 =	sadd.s32 s14, s13;
	s11 =	sadd.s32 $0x4000, s16;
	[dreg:$0x15] =	wrdreg s9  }
0x13: {  	s20 =	sshrl.u32 s13, $0x3;
	s13 =	sadd.s32 $0x4800, s16;
	[dreg:$0x17] =	wrdreg s11  }
0x14: {  	s5 =	sadd.s32 s5, s2;
	s14 =	sadd.s32 $0x5000, s16;
	[dreg:$0x18] =	wrdreg s13  }
0x15: {  	s2 =	sshrl.u32 s2, $0x3;
	s15 =	sadd.s32 $0x5800, s16;
	[dreg:$0x19] =	wrdreg s14  }
0x16: {  	s10 =	sshrl.u32 s18, $0x3;
	s18 =	sadd.s32 $0x6000, s16;
	[dreg:$0x1a] =	wrdreg s15  }
0x17: {  	s5 =	sshrl.u32 s5, $0x3;
	s10 =	sadd.s32 s8, s10;
	[dreg:$0x1b] =	wrdreg s18  }
0x18: {  	s2 =	sadd.s32 s0, s2;
	s0 =	sadd.s32 s0, s5;
	[dreg:$0xa] =	wrdreg s10  }
0x19: {  	s22 =	sadd.s32 $0x4E0, s2;
	[dreg:$0xb] =	wrdreg s0  }
0x1a: {  	s2 =	sadd.s32 $0x2000, s16;
	[dreg:$0xd] =	wrdreg s22  }
0x1b: {  	s5 =	sadd.s32 $0x2800, s16;
	[dreg:$0x12] =	wrdreg s2  }
0x1c: {  	s8 =	sadd.s32 s8, s20;
	s20 =	sadd.s32 $0x7000, s16;
	[dreg:$0x13] =	wrdreg s5  }
0x1d: {  	s23 =	sadd.s32 $0x8800, s16;
	[dreg:$0x1d] =	wrdreg s20  }
0x1e: {  	s26 =	sadd.s32 $0x9000, s16;
	[smem:$0x7E8] =	sst s23  }
0x1f: {  	s28 =	sadd.s32 $0x9800, s16;
	[smem:$0x7E9] =	sst s26  }
0x20: {  	s31 =	sadd.s32 $0xA000, s16;
	[smem:$0x7EA] =	sst s28  }
0x21: {  	s9 =	sadd.s32 $0xC000, s16;
	[smem:$0x7EB] =	sst s31  }
0x22: {  	s11 =	sadd.s32 $0xD000, s16;
	[smem:$0x7EF] =	sst s9  }
0x23: {  	s13 =	sadd.s32 $0xD800, s16;
	[smem:$0x7F1] =	sst s11  }
0x24: {  	s14 =	sadd.s32 $0xE000, s16;
	[smem:$0x7F2] =	sst s13  }
0x25: {  	s15 =	sadd.s32 $0xE800, s16;
	[smem:$0x7F3] =	sst s14  }
0x26: {  	s18 =	sadd.s32 $0xF000, s16;
	[smem:$0x7F4] =	sst s15  }
0x27: {  	s21 =	sadd.s32 $0x27000, s8;
	[smem:$0x7F5] =	sst s18  }
0x28: {  	s8 =	sadd.s32 $0x3000, s16;
	[dreg:$0xc] =	wrdreg s21  }
0x29: {  	s10 =	sshrl.u32 s19, $0x3;
	[dreg:$0x14] =	wrdreg s8  }
0x2a: {  	s19 =	sadd.s32 $0x6800, s16;
	[dreg:$0x16] =	wrdreg s10  }
0x2b: {  	s22 =	sadd.s32 $0x8000, s16;
	[dreg:$0x1c] =	wrdreg s19  }
0x2c: {  	s2 =	sadd.s32 $0xA800, s16;
	[dreg:$0x1f] =	wrdreg s22  }
0x2d: {  	s5 =	sadd.s32 $0xB000, s16;
	[smem:$0x7EC] =	sst s2  }
0x2e: {  	s20 =	sadd.s32 $0x10000, s16;
	[smem:$0x7ED] =	sst s5  }
0x2f: {  	s29 =	simm.s32 $0x1;
	s23 =	sadd.s32 $0x11800, s16;
	[smem:$0x7F7] =	sst s20  }
0x30: {  	s30 =	simm.s32 $0x1EA98;
	s26 =	sadd.s32 $0x12000, s16;
	[smem:$0x7FA] =	sst s23  }
0x31: {  	s12 =	smul.u32 $0x2710, s12;
	s28 =	sadd.s32 $0x12800, s16;
	[smem:$0x7FB] =	sst s26  }
0x32: {  	s31 =	sadd.s32 $0x13000, s16;
	s18 =	simm.s32 $0xD;
	[smem:$0x7FC] =	sst s28  }
0x33: {  	s13 =	simm.s32 $0x9;
	s21 =	sadd.s32 $0x7800, s16;
	[smem:$0x7FD] =	sst s31  }
0x34: {  	s8 =	sadd.s32 $0xB800, s16;
	s10 =	sadd.s32 $0xC800, s16;
	[dreg:$0x1e] =	wrdreg s21  }
0x35: {  	s19 =	sadd.s32 $0xF800, s16;
	s22 =	sadd.s32 $0x11000, s16;
	[smem:$0x7EE] =	sst s8  }
0x36: {  	s20 =	simm.s32 $0xE;
	s23 =	simm.s32 $0x14A98;
	[smem:$0x7F0] =	sst s10  }
0x37: {  	s5 =	simm.s32 $0x5;
	s2 =	simm.s32 $0x0;
	[smem:$0x7F6] =	sst s19  }
0x38: {  	s21 =	sadd.s32 $0x10800, s16;
	[smem:$0x7F9] =	sst s22;
	s19 =	simm.s32 $0x13AF8  }
0x39: {  	v0 =	vimm.f32 $0.0e+00;
	v1 =	vimm.f32 $1.000000000e+00;
	s22 =	simm.s32 $0x50;
	[smem:$0x7F8] =	sst s21;
	s21 =	simm.s32 $0x142C8  }
.LBB2_1:
0x3a: {  	[smem:$0x7E7] =	sst s2;
	s2 =	simm.s32 $0x0;
	s8 =	simm.s32 $0x200  }
.LBB2_2:
0x3b: {  	p1 =	sne.s32 s8, $0x1E00;
	[tilespmem:s2+$0x1EB58] =	vst v0  }
0x3c: {  	[tilespmem:s2+$0x1EAE8] =	vst v0  }
0x3d: {  	[tilespmem:s2+$0x1EAF8] =	vst v0  }
.Ltmp0:
0x3e: {  	[tilespmem:s2+$0x1EB08] =	vst v0;
	(pc) =	sbr.rel @p1 .LBB2_2-.Ltmp0, $4  }
0x3f: {  	[tilespmem:s2+$0x1EB18] =	vst v0  }
0x40: {  	[tilespmem:s2+$0x1EB28] =	vst v0  }
0x41: {  	[tilespmem:s2+$0x1EB38] =	vst v0  }
0x42: {  	[tilespmem:s2+$0x1EB48] =	vst v0;
	s2 =	sshra.s32 s8, $0x2;
	s8 =	sadd.s32 $0x200, s8  }
0x43: {  	[tilespmem:s2+$0x1EB58] =	vst v0  }
0x44: {  	[tilespmem:s2+$0x1EAE8] =	vst v0  }
0x45: {  	[tilespmem:s2+$0x1EAF8] =	vst v0  }
0x46: {  	[tilespmem:s2+$0x1EB08] =	vst v0  }
0x47: {  	[tilespmem:s2+$0x1EB18] =	vst v0  }
0x48: {  	[tilespmem:s2+$0x1EB28] =	vst v0  }
0x49: {  	[tilespmem:s2+$0x1EB38] =	vst v0  }
0x4a: {  	[tilespmem:s2+$0x1EB48] =	vst v0  }
0x4b: {  	[tilespmem:$0x1F2E8] =	vst v0  }
0x4c: {  	[tilespmem:$0x1F2F8] =	vst v0  }
0x4d: {  	[tilespmem:$0x1F308] =	vst v0  }
0x4e: {  	[tilespmem:$0x1F318] =	vst v0  }
0x4f: {  	[tilespmem:$0x1F328] =	vst v0  }
0x50: {  	[tilespmem:$0x1F338] =	vst v0  }
0x51: {  	[tilespmem:$0x1F348] =	vst v0  }
0x52: {  	[tilespmem:$0x1F358] =	vst v0  }
0x53: {  	[tilespmem:$0x1F368] =	vst v0  }
0x54: {  	[tilespmem:$0x1F378] =	vst v0  }
0x55: {  	[tilespmem:$0x1F388] =	vst v0  }
0x56: {  	[tilespmem:$0x1F398] =	vst v0  }
0x57: {  	[tilespmem:$0x1F3A8] =	vst v0  }
0x58: {  	[tilespmem:$0x1F3B8] =	vst v0  }
0x59: {  	[tilespmem:$0x1F3C8] =	vst v0  }
0x5a: {  	[tilespmem:$0x1F3D8] =	vst v0  }
0x5b: {  	[tilespmem:$0x1F3E8] =	vst v0  }
0x5c: {  	[tilespmem:$0x1F3F8] =	vst v0  }
0x5d: {  	[tilespmem:$0x1F408] =	vst v0  }
0x5e: {  	[tilespmem:$0x1F418] =	vst v0  }
0x5f: {  	[tilespmem:$0x1F428] =	vst v0  }
0x60: {  	[tilespmem:$0x1F438] =	vst v0  }
0x61: {  	[tilespmem:$0x1F448] =	vst v0  }
0x62: {  	[tilespmem:$0x1F458] =	vst v0  }
0x63: {  	[tilespmem:$0x1F468] =	vst v0  }
0x64: {  	[tilespmem:$0x1F478] =	vst v0  }
0x65: {  	[tilespmem:$0x1F488] =	vst v0  }
0x66: {  	[tilespmem:$0x1F498] =	vst v0  }
0x67: {  	[tilespmem:$0x1F4A8] =	vst v0  }
0x68: {  	[tilespmem:$0x1F4B8] =	vst v0  }
0x69: {  	[tilespmem:$0x1F4C8] =	vst v0  }
0x6a: {  	[tilespmem:$0x1F4D8] =	vst v0  }
0x6b: {  	[tilespmem:$0x1F4E8] =	vst v0  }
0x6c: {  	[tilespmem:$0x1F4F8] =	vst v0  }
0x6d: {  	[tilespmem:$0x1F508] =	vst v0  }
0x6e: {  	[tilespmem:$0x1F518] =	vst v0  }
0x6f: {  	[tilespmem:$0x1F528] =	vst v0  }
0x70: {  	[tilespmem:$0x1F538] =	vst v0  }
0x71: {  	[tilespmem:$0x1F548] =	vst v0  }
0x72: {  	[tilespmem:$0x1EA98] =	vst v1  }
0x73: {  	[tilespmem:$0x1EAA8] =	vst v1  }
0x74: {  	[tilespmem:$0x1EAB8] =	vst v1  }
0x75: {  	s0 =	rddreg [dreg:$0x6];
	[tilespmem:$0x1EAC8] =	vst v1  }
0x76: {  	s2 =	simm.s32 $0x1EAE8;
	s9 =	rddreg [dreg:$0xf];
	[tilespmem:$0x1EAD8] =	vst v1  }
0x77: {  	[spmem:s0] =	stream.linear.scatter [tilespmem:s2], [sflag:$0xD], $0x800, $0x38;
	[tilespmem:$0x1F558] =	vst v63  }
0x78: {  	s10 =	rddreg [dreg:$0x10]  }
0x79: {  	[spmem:s9] =	stream.linear.scatter [tilespmem:s2], [sflag:$0xD], $0x800, $0x38;
	[tilespmem:$0x1F558] =	vst v63  }
0x7a: {  	s11 =	rddreg [dreg:$0x11]  }
0x7b: {  	[spmem:s10] =	stream.linear.scatter [tilespmem:s2], [sflag:$0xD], $0x800, $0x38;
	[tilespmem:$0x1F558] =	vst v63  }
0x7c: {  	s14 =	rddreg [dreg:$0x12]  }
0x7d: {  	[spmem:s11] =	stream.linear.scatter [tilespmem:s2], [sflag:$0xD], $0x800, $0x38;
	[tilespmem:$0x1F558] =	vst v63  }
0x7e: {  	s15 =	rddreg [dreg:$0x13]  }
0x7f: {  	[spmem:s14] =	stream.linear.scatter [tilespmem:s2], [sflag:$0xD], $0x800, $0x38;
	[tilespmem:$0x1F558] =	vst v63  }
0x80: {  	s16 =	rddreg [dreg:$0x14]  }
0x81: {  	[spmem:s15] =	stream.linear.scatter [tilespmem:s2], [sflag:$0xD], $0x800, $0x38;
	[tilespmem:$0x1F558] =	vst v63  }
0x82: {  	s26 =	rddreg [dreg:$0x15]  }
0x83: {  	[spmem:s16] =	stream.linear.scatter [tilespmem:s2], [sflag:$0xD], $0x800, $0x38;
	[tilespmem:$0x1F558] =	vst v63  }
0x84: {  	s28 =	rddreg [dreg:$0x17]  }
0x85: {  	[spmem:s26] =	stream.linear.scatter [tilespmem:s2], [sflag:$0xD], $0x800, $0x38;
	[tilespmem:$0x1F558] =	vst v63  }
0x86: {  	s31 =	rddreg [dreg:$0x18]  }
0x87: {  	[spmem:s28] =	stream.linear.scatter [tilespmem:s2], [sflag:$0xD], $0x800, $0x38;
	[tilespmem:$0x1F558] =	vst v63  }
0x88: {  	s8 =	rddreg [dreg:$0x19]  }
0x89: {  	[spmem:s31] =	stream.linear.scatter [tilespmem:s2], [sflag:$0xD], $0x800, $0x38;
	[tilespmem:$0x1F558] =	vst v63  }
0x8a: {  	s9 =	rddreg [dreg:$0x1a]  }
0x8b: {  	[spmem:s8] =	stream.linear.scatter [tilespmem:s2], [sflag:$0xD], $0x800, $0x38;
	[tilespmem:$0x1F558] =	vst v63  }
0x8c: {  	s10 =	rddreg [dreg:$0x1b]  }
0x8d: {  	[spmem:s9] =	stream.linear.scatter [tilespmem:s2], [sflag:$0xD], $0x800, $0x38;
	[tilespmem:$0x1F558] =	vst v63  }
0x8e: {  	s11 =	rddreg [dreg:$0x1c]  }
0x8f: {  	[spmem:s10] =	stream.linear.scatter [tilespmem:s2], [sflag:$0xD], $0x800, $0x38;
	[tilespmem:$0x1F558] =	vst v63  }
0x90: {  	s14 =	rddreg [dreg:$0x1d]  }
0x91: {  	[spmem:s11] =	stream.linear.scatter [tilespmem:s2], [sflag:$0xD], $0x800, $0x38;
	[tilespmem:$0x1F558] =	vst v63  }
0x92: {  	s15 =	rddreg [dreg:$0x1e]  }
0x93: {  	[spmem:s14] =	stream.linear.scatter [tilespmem:s2], [sflag:$0xD], $0x800, $0x38;
	[tilespmem:$0x1F558] =	vst v63  }
0x94: {  	s16 =	rddreg [dreg:$0x1f]  }
0x95: {  	[spmem:s15] =	stream.linear.scatter [tilespmem:s2], [sflag:$0xD], $0x800, $0x38;
	[tilespmem:$0x1F558] =	vst v63  }
0x96: {  	s26 =	sld [smem:$0x7E8]  }
0x97: {  	[spmem:s16] =	stream.linear.scatter [tilespmem:s2], [sflag:$0xD], $0x800, $0x38;
	[tilespmem:$0x1F558] =	vst v63  }
0x98: {  	s28 =	sld [smem:$0x7E9]  }
0x99: {  	[spmem:s26] =	stream.linear.scatter [tilespmem:s2], [sflag:$0xD], $0x800, $0x38;
	[tilespmem:$0x1F558] =	vst v63  }
0x9a: {  	s31 =	sld [smem:$0x7EA]  }
0x9b: {  	[spmem:s28] =	stream.linear.scatter [tilespmem:s2], [sflag:$0xD], $0x800, $0x38;
	[tilespmem:$0x1F558] =	vst v63  }
0x9c: {  	s8 =	sld [smem:$0x7EB]  }
0x9d: {  	[spmem:s31] =	stream.linear.scatter [tilespmem:s2], [sflag:$0xD], $0x800, $0x38;
	[tilespmem:$0x1F558] =	vst v63  }
0x9e: {  	s9 =	sld [smem:$0x7EC]  }
0x9f: {  	[spmem:s8] =	stream.linear.scatter [tilespmem:s2], [sflag:$0xD], $0x800, $0x38;
	[tilespmem:$0x1F558] =	vst v63  }
0xa0: {  	s10 =	sld [smem:$0x7ED]  }
0xa1: {  	[spmem:s9] =	stream.linear.scatter [tilespmem:s2], [sflag:$0xD], $0x800, $0x38;
	[tilespmem:$0x1F558] =	vst v63  }
0xa2: {  	s11 =	sld [smem:$0x7EE]  }
0xa3: {  	[spmem:s10] =	stream.linear.scatter [tilespmem:s2], [sflag:$0xD], $0x800, $0x38;
	[tilespmem:$0x1F558] =	vst v63  }
0xa4: {  	s14 =	sld [smem:$0x7EF]  }
0xa5: {  	[spmem:s11] =	stream.linear.scatter [tilespmem:s2], [sflag:$0xD], $0x800, $0x38;
	[tilespmem:$0x1F558] =	vst v63  }
0xa6: {  	s15 =	sld [smem:$0x7F0]  }
0xa7: {  	[spmem:s14] =	stream.linear.scatter [tilespmem:s2], [sflag:$0xD], $0x800, $0x38;
	[tilespmem:$0x1F558] =	vst v63  }
0xa8: {  	s16 =	sld [smem:$0x7F1]  }
0xa9: {  	[spmem:s15] =	stream.linear.scatter [tilespmem:s2], [sflag:$0xD], $0x800, $0x38;
	[tilespmem:$0x1F558] =	vst v63  }
0xaa: {  	s26 =	sld [smem:$0x7F2]  }
0xab: {  	[spmem:s16] =	stream.linear.scatter [tilespmem:s2], [sflag:$0xD], $0x800, $0x38;
	[tilespmem:$0x1F558] =	vst v63  }
0xac: {  	s28 =	sld [smem:$0x7F3]  }
0xad: {  	[spmem:s26] =	stream.linear.scatter [tilespmem:s2], [sflag:$0xD], $0x800, $0x38;
	[tilespmem:$0x1F558] =	vst v63  }
0xae: {  	s31 =	sld [smem:$0x7F4]  }
0xaf: {  	[spmem:s28] =	stream.linear.scatter [tilespmem:s2], [sflag:$0xD], $0x800, $0x38;
	[tilespmem:$0x1F558] =	vst v63  }
0xb0: {  	s8 =	sld [smem:$0x7F5]  }
0xb1: {  	[spmem:s31] =	stream.linear.scatter [tilespmem:s2], [sflag:$0xD], $0x800, $0x38;
	[tilespmem:$0x1F558] =	vst v63  }
0xb2: {  	s9 =	sld [smem:$0x7F6]  }
0xb3: {  	[spmem:s8] =	stream.linear.scatter [tilespmem:s2], [sflag:$0xD], $0x800, $0x38;
	[tilespmem:$0x1F558] =	vst v63  }
0xb4: {  	s10 =	sld [smem:$0x7F7]  }
0xb5: {  	[spmem:s9] =	stream.linear.scatter [tilespmem:s2], [sflag:$0xD], $0x800, $0x38;
	[tilespmem:$0x1F558] =	vst v63  }
0xb6: {  	s11 =	sld [smem:$0x7F8]  }
0xb7: {  	[spmem:s10] =	stream.linear.scatter [tilespmem:s2], [sflag:$0xD], $0x800, $0x38;
	[tilespmem:$0x1F558] =	vst v63  }
0xb8: {  	s14 =	sld [smem:$0x7F9]  }
0xb9: {  	[spmem:s11] =	stream.linear.scatter [tilespmem:s2], [sflag:$0xD], $0x800, $0x38;
	[tilespmem:$0x1F558] =	vst v63  }
0xba: {  	s15 =	sld [smem:$0x7FA]  }
0xbb: {  	[spmem:s14] =	stream.linear.scatter [tilespmem:s2], [sflag:$0xD], $0x800, $0x38;
	[tilespmem:$0x1F558] =	vst v63  }
0xbc: {  	s16 =	sld [smem:$0x7FB]  }
0xbd: {  	[spmem:s15] =	stream.linear.scatter [tilespmem:s2], [sflag:$0xD], $0x800, $0x38;
	[tilespmem:$0x1F558] =	vst v63  }
0xbe: {  	s26 =	sld [smem:$0x7FC]  }
0xbf: {  	[spmem:s16] =	stream.linear.scatter [tilespmem:s2], [sflag:$0xD], $0x800, $0x38;
	[tilespmem:$0x1F558] =	vst v63  }
0xc0: {  	s28 =	sld [smem:$0x7FD]  }
0xc1: {  	[spmem:s26] =	stream.linear.scatter [tilespmem:s2], [sflag:$0xD], $0x800, $0x38;
	[tilespmem:$0x1F558] =	vst v63  }
0xc2: {  	_ = 	snop  }
0xc3: {  	[spmem:s28] =	stream.linear.scatter [tilespmem:s2], [sflag:$0xD], $0x800, $0x38;
	[tilespmem:$0x1F558] =	vst v63  }
0xc4: {  	s31 =	simm.s32 $0x1F2E8  }
0xc5: {  	[spmem:s17] =	stream.linear.scatter [tilespmem:s31], [sflag:$0xD], $0x270, $0x38;
	[tilespmem:$0x1F558] =	vst v63  }
0xc6: {  	s2 =	simm.s32 @!p0 $0x1EAE8  }
0xc7: {  	[spmem:s24] =	stream.linear.scatter @!p0 [tilespmem:s2], [sflag:$0xE], $0x800, $0x38;
	[tilespmem:$0x1F558] =	vst v63  }
0xc8: {  	s2 =	simm.s32 @!p0 $0xE  }
0xc9: {  	_ =	swait.ge @!p0 [sflag:s2], $0x800  }
0xca: {  	[sflag:s2] =	ssyncset.done @!p0 $0x0  }
0xcb: {  	s8 =	simm.s32 @!p0 $0x1F2E8;
	[sflag:s2] =	ssyncadd.s32 @!p0 $0xFFFFF800  }
0xcc: {  	[spmem:s25] =	stream.linear.scatter @!p0 [tilespmem:s8], [sflag:$0xE], $0x10, $0x38;
	[tilespmem:$0x1F558] =	vst v63  }
0xcd: {  	_ =	swait.ge @!p0 [sflag:s2], $0x10  }
0xce: {  	[sflag:s2] =	ssyncset.done @!p0 $0x0  }
0xcf: {  	[sflag:s2] =	ssyncadd.s32 @!p0 $0xFFFFFFF0  }
0xd0: {  	_ =	swait.ge [sflag:s18], $0x800  }
0xd1: {  	s2 =	simm.s32 $0x26;
	[sflag:s18] =	ssyncset.done $0x0  }
.LBB2_4:
0xd2: {  	p1 =	sne.s32 s2, $0x1;
	s2 =	sadd.s32 $0xFFFFFFFF, s2;
	[sflag:s18] =	ssyncadd.s32 $0xFFFFF800  }
.Ltmp1:
0xd3: {  	(pc) =	sbr.rel @p1 .LBB2_4-.Ltmp1, $3  }
0xd4: {  	_ =	sdelay $0x1  }
0xd5: {  	_ =	swait.ge [sflag:s18], $0x800  }
0xd6: {  	[sflag:s18] =	ssyncset.done $0x0  }
0xd7: {  	[sflag:s18] =	ssyncadd.s32 $0xFFFFF800  }
0xd8: {  	_ =	swait.ge [sflag:s18], $0x270  }
0xd9: {  	[sflag:s18] =	ssyncset.done $0x0  }
0xda: {  	[sflag:s18] =	ssyncadd.s32 $0xFFFFFD90  }
0xdb: {  	s15 =	simm.s32 $0x0;
	[bflag:$0x0] =	sbarrier.arrive $0xFFFF  }
.LBB2_6:
0xdc: {  	s2 =	smul.u32 $0x7D0, s15;
	_ =	sdelay $0x1  }
0xdd: {  	s2 =	sadd.s32 s12, s2  }
0xde: {  	s2 =	sshrl.u32 s2, $0x3  }
0xdf: {  	s8 =	sadd.s32 s7, s2  }
0xe0: {  	[tilespmem:s19], [sflag:$0xE] =	stream.linear.gather [hbm4b:s8+s6], $0x7D0, $0x38;
	[tilespmem:$0x1F558] =	vst v63  }
0xe1: {  	_ =	swait.ge [sflag:s20], $0x7D0  }
0xe2: {  	[sflag:s20] =	ssyncset.done $0x0  }
0xe3: {  	[sflag:s20] =	ssyncadd.s32 $0xFFFFF830  }
0xe4: {  	s0 =	rddreg [dreg:$0x2]  }
0xe5: {  	s2 =	sadd.s32 s0, s2  }
0xe6: {  	[tilespmem:s21], [sflag:$0xE] =	stream.linear.gather [hbm4b:s2+s6], $0x7D0, $0x38;
	[tilespmem:$0x1F558] =	vst v63  }
0xe7: {  	_ =	swait.ge [sflag:s20], $0x7D0  }
0xe8: {  	[sflag:s20] =	ssyncset.done $0x0  }
0xe9: {  	[sflag:s20] =	ssyncadd.s32 $0xFFFFF830  }
0xea: {  	[tilespmem:s23], [sflag:$0x1] =	stream.indirect.gather [hbm4b:s1+s22], $0x80, s19, s22, $0xb8;
	[tilespmem:$0x1F558] =	vst v63  }
0xeb: {  	s10 =	simm.s32 $0x13B48;
	s11 =	simm.s32 $0x17298  }
0xec: {  	[tilespmem:s11], [sflag:$0x2] =	stream.indirect.gather [hbm4b:s1+s22], $0x80, s10, s22, $0xb8;
	[tilespmem:$0x1F558] =	vst v63  }
0xed: {  	s14 =	simm.s32 $0x13B98;
	s16 =	simm.s32 $0x19A98  }
0xee: {  	[tilespmem:s16], [sflag:$0x3] =	stream.indirect.gather [hbm4b:s1+s22], $0x80, s14, s22, $0xb8;
	[tilespmem:$0x1F558] =	vst v63  }
0xef: {  	_ =	swait.ge [sflag:s29], $0x2800  }
0xf0: {  	s25 =	simm.s32 $0x1;
	[sflag:s29] =	ssyncset.done $0x0  }
0xf1: {  	s17 =	simm.s32 $0x13BE8;
	s2 =	sand.u32 $0x3, s25;
	[sflag:s29] =	ssyncadd.s32 $0xFFFFD800  }
0xf2: {  	[spmem:s3] =	stream.indirect.scatter.add.f32 [tilespmem:s23], [sflag:$0x5], $0x80, s21, s22, $0xb8;
	[tilespmem:$0x1F558] =	vst v63  }
0xf3: {  	s24 =	simm.s32 $0x1C298;
	p1 =	por $0x0, $0x0;
	s26 =	smul.u32 $0xA000, s2  }
0xf4: {  	[spmem:s4] =	stream.indirect.scatter.add.f32 [tilespmem:s30], [sflag:$0x9], $0x1, s21, s22, $0xb8;
	[tilespmem:$0x1F558] =	vst v63  }
0xf5: {  	s9 =	sadd.s32 $0x1, s2;
	s28 =	sadd.s32 $0x5, s2;
	s8 =	sshrl.u32 s26, $0x2  }
0xf6: {  	[tilespmem:s24], [sflag:$0x4] =	stream.indirect.gather [hbm4b:s1+s22], $0x80, s17, s22, $0xb8;
	[tilespmem:$0x1F558] =	vst v63  }
0xf7: {  	s2 =	sadd.s32 $0x9, s2;
	s8 =	sadd.s32 $0x14A98, s8;
	_ =	swait.ge [sflag:s9], $0x2800  }
0xf8: {  	s10 =	simm.s32 $0x4;
	s11 =	simm.s32 $0x13C38;
	[sflag:s9] =	ssyncset.done $0x0  }
0xf9: {  	s14 =	simm.s32 $0x14318;
	s24 =	sand.u32 $0x3, s10;
	[sflag:s9] =	ssyncadd.s32 $0xFFFFD800  }
0xfa: {  	[spmem:s3] =	stream.indirect.scatter.add.f32 [tilespmem:s8], [sflag:s28], $0x80, s14, s22, $0xb8;
	[tilespmem:$0x1F558] =	vst v63  }
0xfb: {  	s16 =	simm.s32 $0x13C88;
	s31 =	sadd.s32 $0x5, s24;
	s26 =	smul.u32 @!p1 $0xA000, s24  }
0xfc: {  	[spmem:s4] =	stream.indirect.scatter.add.f32 [tilespmem:s30], [sflag:s2], $0x1, s14, s22, $0xb8;
	[tilespmem:$0x1F558] =	vst v63  }
0xfd: {  	s10 =	simm.s32 $0x14368;
	s25 =	sadd.s32 $0x9, s24;
	_ =	swait.ge [sflag:s31], $0x2800  }
0xfe: {  	s9 =	simm.s32 $0x5;
	s26 =	sshrl.u32 @!p1 s26, $0x2;
	[sflag:s31] =	ssyncset.done $0x0  }
0xff: {  	s8 =	simm.s32 $0x6;
	s2 =	sadd.s32 @!p1 $0x1, s24;
	[sflag:s31] =	ssyncadd.s32 $0xFFFFD800  }
0x100: {  	s24 =	simm.s32 @!p1 $0x50;
	s14 =	simm.s32 $0x2;
	_ =	swait.ge [sflag:s25], $0x50  }
.LBB2_7:
0x101: {  	s28 =	sand.u32 $0x3, s14  }
0x102: {  	[sflag:s25] =	ssyncset.done $0x0;
	s26 =	sadd.s32 @!p1 $0x14A98, s26;
	s31 =	smov.u32 s8  }
0x103: {  	s0 =	smul.u32 $0xA000, s28;
	s17 =	sadd.s32 $0x1, s28;
	[sflag:s25] =	ssyncadd.s32 $0xFFFFFFB0  }
0x104: {  	[tilespmem:s26], [sflag:s2] =	stream.indirect.gather @!p1 [hbm4b:s1+s24], $0x80, s11, s24, $0xb8;
	[tilespmem:$0x1F558] =	vst v63  }
0x105: {  	s8 =	sadd.s32 $0x1, s8;
	s0 =	sshrl.u32 s0, $0x2;
	_ =	swait.ge [sflag:s17], $0x2800  }
0x106: {  	p2 =	sne.s32 s8, $0x1C;
	s0 =	sadd.s32 $0x14A98, s0;
	[sflag:s17] =	ssyncset.done $0x0  }
0x107: {  	s2 =	sadd.s32 $0x5, s28;
	s11 =	smov.u32 s16;
	[sflag:s17] =	ssyncadd.s32 $0xFFFFD800  }
0x108: {  	[spmem:s3] =	stream.indirect.scatter.add.f32 [tilespmem:s0], [sflag:s2], $0x80, s10, s22, $0xb8;
	[tilespmem:$0x1F558] =	vst v63  }
0x109: {  	s17 =	sand.u32 $0x3, s9;
	s9 =	smov.u32 s31;
	s0 =	sadd.s32 $0x9, s28  }
0x10a: {  	[spmem:s4] =	stream.indirect.scatter.add.f32 [tilespmem:s30], [sflag:s0], $0x1, s10, s22, $0xb8;
	[tilespmem:$0x1F558] =	vst v63  }
.Ltmp2:
0x10b: {  	s16 =	sadd.s32 $0x50, s16;
	s0 =	sadd.s32 $0x5, s17;
	(pc) =	sbr.rel @p2 .LBB2_7-.Ltmp2, $4  }
0x10c: {  	p1 =	sgt.u32 s14, $0x15;
	s10 =	sadd.s32 $0x50, s10;
	_ =	swait.ge [sflag:s0], $0x2800  }
0x10d: {  	s26 =	smul.u32 @!p1 $0xA000, s17;
	s2 =	sadd.s32 @!p1 $0x1, s17;
	[sflag:s0] =	ssyncset.done $0x0  }
0x10e: {  	s24 =	simm.s32 @!p1 $0x50;
	s25 =	sadd.s32 $0x9, s17;
	[sflag:s0] =	ssyncadd.s32 $0xFFFFD800  }
0x10f: {  	s14 =	sadd.s32 $0xFFFFFFFD, s9;
	s26 =	sshrl.u32 @!p1 s26, $0x2;
	_ =	swait.ge [sflag:s25], $0x50  }
0x110: {  	s0 =	sand.u32 $0x3, s14;
	[sflag:s25] =	ssyncset.done $0x0;
	s8 =	sadd.s32 @!p1 $0x14A98, s26  }
0x111: {  	s17 =	smul.u32 $0xA000, s0;
	s31 =	sadd.s32 $0x1, s0;
	[sflag:s25] =	ssyncadd.s32 $0xFFFFFFB0  }
0x112: {  	[tilespmem:s8], [sflag:s2] =	stream.indirect.gather @!p1 [hbm4b:s1+s24], $0x80, s11, s24, $0xb8;
	[tilespmem:$0x1F558] =	vst v63  }
0x113: {  	_ =	swait.ge [sflag:s31], $0x2800  }
0x114: {  	s25 =	sshrl.u32 s17, $0x2;
	[sflag:s31] =	ssyncset.done $0x0  }
0x115: {  	s26 =	sadd.s32 $0x5, s0;
	s2 =	sadd.s32 $0x14A98, s25;
	[sflag:s31] =	ssyncadd.s32 $0xFFFFD800  }
0x116: {  	[spmem:s3] =	stream.indirect.scatter.add.f32 [tilespmem:s2], [sflag:s26], $0x80, s10, s22, $0xb8;
	[tilespmem:$0x1F558] =	vst v63  }
0x117: {  	s2 =	sand.u32 $0x3, s9  }
0x118: {  	s0 =	sadd.s32 $0x9, s0;
	s28 =	sadd.s32 $0x5, s2  }
0x119: {  	[spmem:s4] =	stream.indirect.scatter.add.f32 [tilespmem:s30], [sflag:s0], $0x1, s10, s22, $0xb8;
	[tilespmem:$0x1F558] =	vst v63  }
0x11a: {  	_ =	swait.ge [sflag:s28], $0x2800  }
0x11b: {  	p1 =	sgt.u32 s14, $0x15;
	[sflag:s28] =	ssyncset.done $0x0  }
0x11c: {  	s8 =	smul.u32 @!p1 $0xA000, s2;
	s31 =	sadd.s32 $0x9, s2;
	[sflag:s28] =	ssyncadd.s32 $0xFFFFD800  }
0x11d: {  	s15 =	sadd.s32 $0x1, s15;
	_ =	swait.ge [sflag:s31], $0x50  }
0x11e: {  	s9 =	simm.s32 @!p1 $0x50;
	s8 =	sshrl.u32 @!p1 s8, $0x2;
	[sflag:s31] =	ssyncset.done $0x0  }
0x11f: {  	s2 =	sadd.s32 @!p1 $0x1, s2;
	s8 =	sadd.s32 @!p1 $0x14A98, s8;
	[sflag:s31] =	ssyncadd.s32 $0xFFFFFFB0  }
0x120: {  	[tilespmem:s8], [sflag:s2] =	stream.indirect.gather @!p1 [hbm4b:s1+s9], $0x80, s16, s9, $0xb8;
	[tilespmem:$0x1F558] =	vst v63  }
0x121: {  	p1 =	sne.s32 s15, $0x5;
	_ =	swait.ge [sflag:s5], $0x2800  }
.Ltmp3:
0x122: {  	[sflag:s5] =	ssyncset.done $0x0;
	(pc) =	sbr.rel @p1 .LBB2_6-.Ltmp3, $4  }
0x123: {  	[sflag:s5] =	ssyncadd.s32 $0xFFFFD800  }
0x124: {  	_ =	swait.ge [sflag:s13], $0x50  }
0x125: {  	[sflag:s13] =	ssyncset.done $0x0  }
0x126: {  	[sflag:s13] =	ssyncadd.s32 $0xFFFFFFB0  }
0x127: {  	s0 =	stileid.u32;
	[bflag:$0x0] =	sbarrier.arrive $0xFFFF  }
0x128: {  	s0 =	sshll.u32 s0, $0x6;
	s2 =	rddreg [dreg:$0xa]  }
0x129: {  	s8 =	rddreg [dreg:$0x16];
	s0 =	sor.u32 $0x1C0D, s0  }
0x12a: {  	[hbm:s2], [sflag:s0] =	dma.local [spmem:s8], $0x2700  }
0x12b: {  	s17 =	rddreg [dreg:$0x7]  }
0x12c: {  	s8 =	rddreg [dreg:$0xb];
	s26 =	sshrl.u32 s17, $0x3  }
0x12d: {  	[hbm:s8], [sflag:s0] =	dma.local [spmem:s26], $0x4E  }
0x12e: {  	s24 =	rddreg [dreg:$0x8]  }
0x12f: {  	s2 =	simm.s32 @!p0 $0x1FCE;
	s8 =	rddreg [dreg:$0xc];
	s0 =	sshrl.u32 @!p0 s24, $0x3  }
0x130: {  	[hbm:s8], [sflag:s2] =	dma.local @!p0 [spmem:s0], $0x100  }
0x131: {  	s0 =	simm.s32 @!p0 $0xE  }
0x132: {  	_ =	swait.ge @!p0 [sflag:s0], $0x100  }
0x133: {  	[sflag:s0] =	ssyncset.done @!p0 $0x0;
	s25 =	rddreg [dreg:$0x9]  }
0x134: {  	s9 =	rddreg [dreg:$0xd];
	[sflag:s0] =	ssyncadd.s32 @!p0 $0xFFFFFF00;
	s8 =	sshrl.u32 @!p0 s25, $0x3  }
0x135: {  	[hbm:s9], [sflag:s2] =	dma.local @!p0 [spmem:s8], $0x2  }
0x136: {  	_ =	swait.ge @!p0 [sflag:s0], $0x2  }
0x137: {  	[sflag:s0] =	ssyncset.done @!p0 $0x0  }
0x138: {  	[sflag:s0] =	ssyncadd.s32 @!p0 $0xFFFFFFFE  }
0x139: {  	_ =	swait.ge [sflag:s18], $0x2700  }
0x13a: {  	[sflag:s18] =	ssyncset.done $0x0  }
0x13b: {  	[sflag:s18] =	ssyncadd.s32 $0xFFFFD900  }
0x13c: {  	_ =	swait.ge [sflag:s18], $0x4E  }
0x13d: {  	s28 =	sld [smem:$0x7E7];
	_ =	sdelay $0x2  }
0x13e: {  	s31 =	rddreg [dreg:$0xe];
	s2 =	sadd.s32 $0x1, s28  }
0x13f: {  	p1 =	sne.s32 s2, s31  }
.Ltmp4:
0x140: {  	_ = 	snop;
	(pc) =	sbr.rel @p1 .LBB2_1-.Ltmp4, $3  }
0x141: {  	_ =	sdelay $0x1  }
0x142: {  	[sflag:s18] =	ssyncset.done $0x0  }
0x143: {  	[sflag:s18] =	ssyncadd.s32 $0xFFFFFFB2  }
0x144: {  	_ =	sfence.sel $0x180000  }
0x145: {  	[bflag:$0x0] =	sbarrier.arrive $0xFFFF  }
0x146: {  	_ =	strace $0x90000047  }
0x147: {  	s0 =	stileid.u32;
	[bflag:$0x2] =	sbarrier.arrive $0xFFFF  }
0x148: {  	p0 =	sne.s32 s0, $0x0;
	s0 =	rddreg [dreg:$0x5]  }
0x149: {  	s0 =	sadd.s32 @!p0 $0x100000, s0  }
0x14a: {  	[sflag:s0] =	ssyncadd.tile.s32 @!p0 $0x1;
	_ =	shalt  }
.Lfunc_end2:
_tile_overlayer_lowered:
.L_overlay_start_2:
0x14b: {  	(tag) =	ssettag $0x2  }
0x14c: {  	s0 =	rddreg [dreg:$0x0];
	s2 =	stileid.u32  }
0x14d: {  	s1 =	rddreg [dreg:$0x1];
	p0 =	sne.s32 s2, $0x0  }
0x14e: {  	s3 =	rddreg [dreg:$0x2];
	[bflag:$0x3] =	sbarrier.arrive $0xFFFF;
	s2 =	simm.s32 @!p0 $0x1C0E  }
0x14f: {  	[timem:s3], [sflag:s2] =	dma.local @!p0 [hbm:s0], s1  }
0x150: {  	s0 =	simm.s32 @!p0 $0xE  }
0x151: {  	_ =	swait.ge @!p0 [sflag:s0], s1  }
0x152: {  	s1 =	ssub.s32 @!p0 $0x0, s1;
	[sflag:s0] =	ssyncset.done @!p0 $0x0  }
0x153: {  	[sflag:s0] =	ssyncadd.s32 @!p0 s1  }
0x154: {  	[bflag:$0x3] =	sbarrier.arrive $0xFFFF  }
0x155: {  	_ =	shalt  }

</sc_bundles>
